<compile_context>
chip_gen: v7x
topology: tpu7x:2x2x1
jax: 0.10.2.dev20260603
libtpu: 0.0.44.dev20260713+nightly
codegen_flags: <defaults>
</compile_context>

<pallas_src>
import functools

import jax
import jax.numpy as jnp
from jax import lax
from jax.experimental import pallas as pl
from jax.experimental.pallas import tpu as pltpu
from jax.experimental.pallas import tpu_sc as plsc

VOCAB = 100000
EMBED_DIM = 768
BATCH = 4
SEQ = 2048

NUM_CORES = 2
NUM_SUBCORES = 16
NW = NUM_CORES * NUM_SUBCORES
TOTAL = BATCH * SEQ
B_PER_W = TOTAL // NW
CHUNK = 32
NCHUNK = B_PER_W // CHUNK
NBUF = 5
WDELAY = 3


def _make_gather():
    mesh = plsc.VectorSubcoreMesh(core_axis_name="c", subcore_axis_name="s")

    @functools.partial(
        pl.kernel,
        mesh=mesh,
        out_type=jax.ShapeDtypeStruct((BATCH, SEQ, EMBED_DIM), jnp.float32),
        scratch_types=[
            pltpu.VMEM((B_PER_W,), jnp.int32),
        ] + [
            pltpu.VMEM((CHUNK, EMBED_DIM), jnp.float32) for _ in range(NBUF)
        ] + [
            pltpu.SemaphoreType.DMA,
            pltpu.SemaphoreType.DMA,
        ],
    )
    def k(ids_hbm, table_hbm, out_hbm, idx_v, *rest):
        bufs = rest[:NBUF]
        gsem, wsem = rest[NBUF], rest[NBUF + 1]
        wid = lax.axis_index("s") * NUM_CORES + lax.axis_index("c")
        wpb = SEQ // B_PER_W
        row = wid // wpb
        off = (wid % wpb) * B_PER_W
        pltpu.sync_copy(ids_hbm.at[row, pl.ds(off, B_PER_W)], idx_v)
        g = [None] * NBUF
        w = [None] * NBUF

        def gather(j, buf):
            return pltpu.async_copy(
                table_hbm.at[idx_v.at[pl.ds(j * CHUNK, CHUNK)]], buf, gsem)

        for j in range(min(NBUF, NCHUNK)):
            g[j] = gather(j, bufs[j])
        for j in range(NCHUNK):
            b = j % NBUF
            g[b].wait()
            w[b] = pltpu.async_copy(
                bufs[b], out_hbm.at[row, pl.ds(off + j * CHUNK, CHUNK)], wsem)
            jd = j - WDELAY
            if jd >= 0 and jd + NBUF < NCHUNK:
                bd = jd % NBUF
                w[bd].wait()
                w[bd] = None
                g[bd] = gather(jd + NBUF, bufs[bd])
        for b in range(NBUF):
            if w[b] is not None:
                w[b].wait()

    return k


_gather = _make_gather()


def kernel(encoder_input_ids, encoder_attention_mask, embed_table):
    ids = encoder_input_ids.astype(jnp.int32)
    hidden = _gather(ids, embed_table)
    return (encoder_input_ids, encoder_attention_mask, hidden)

# --- scband reference (transcript-rebuilt; emitter-appended) ---
"""Pipeline reference for scband-t5-embedding-pipe-56521769615559 (READ-ONLY COPY).

The authoritative reference and input builder live on the scoring server;
editing this copy changes nothing except your own understanding.
"""

import jax, jax.numpy as jnp
import numpy as np

VOCAB = 100000
EMBED_DIM = 768
BATCH = 4
SEQ = 2048

def setup_inputs(seed: int = 0) -> dict:
    key = jax.random.key(seed)
    k_ids, k_emb = jax.random.split(key)
    encoder_input_ids = jax.random.randint(k_ids, (BATCH, SEQ), 0, VOCAB, dtype=jnp.int64 if jax.config.jax_enable_x64 else jnp.int32)
    encoder_attention_mask = jnp.ones((BATCH, SEQ), dtype=encoder_input_ids.dtype)
    # Embedding table initialized ~ N(0, 1) per init_all(normal_, mean=0, std=1)
    embed_table = jax.random.normal(k_emb, (VOCAB, EMBED_DIM), dtype=jnp.float32)
    return {
        "encoder_input_ids": encoder_input_ids,
        "encoder_attention_mask": encoder_attention_mask,
        "embed_table": embed_table,
    }

def reference(encoder_input_ids, encoder_attention_mask, embed_table):
    # Encoder branch (is_decoder=False):
    #   encoder_hidden_states = self.embed(encoder_input_ids)
    #   encoder_hidden_states = self.dropout(encoder_hidden_states)  # identity in eval
    encoder_hidden_states = jnp.take(embed_table, encoder_input_ids, axis=0)
    # format_outputs returns the tuple; the meaningful new tensor is encoder_hidden_states.
    return (
        encoder_input_ids,
        encoder_attention_mask,
        encoder_hidden_states,
    )

if __name__ == "__main__":
    import jax
    _d = setup_inputs()
    print(jax.jit(kernel)(*tuple(_d.values())))

</pallas_src>

<mosaic_0001>
#map = affine_map<(d0, d1) -> (0, 0)>
#map1 = affine_map<(d0, d1) -> (0, 0, 0)>
module attributes {stable_mosaic.version = 14 : i64} {
  func.func @k(%arg0: i32, %arg1: i32, %arg2: memref<4x2048xi32, #tpu.memory_space<hbm>>, %arg3: memref<100000x768xf32, #tpu.memory_space<hbm>>, %arg4: memref<4x2048x768xf32, #tpu.memory_space<hbm>>, %arg5: memref<256xi32, #tpu.memory_space<vmem>>, %arg6: memref<32x768xf32, #tpu.memory_space<vmem>>, %arg7: memref<32x768xf32, #tpu.memory_space<vmem>>, %arg8: memref<32x768xf32, #tpu.memory_space<vmem>>, %arg9: memref<32x768xf32, #tpu.memory_space<vmem>>, %arg10: memref<32x768xf32, #tpu.memory_space<vmem>>, %arg11: memref<!tpu.dma_semaphore, #tpu.memory_space<semaphore_mem>>, %arg12: memref<!tpu.dma_semaphore, #tpu.memory_space<semaphore_mem>>) attributes {dimension_semantics = [#tpu.dimension_semantics<core_parallel>, #tpu.dimension_semantics<subcore_parallel>], iteration_bounds = array<i64: 2, 16>, scalar_prefetch = 0 : i64, scratch_operands = 8 : i64, tpu.core_type = #tpu.core_type<sc_vector_subcore>, window_params = [{transform_indices = #map}, {transform_indices = #map}, {transform_indices = #map1}]} {
    %mul3A = arith.constant 2 : i32
    %mul3A_0 = arith.muli %arg1, %mul3A : i32
    %add3A = arith.addi %mul3A_0, %arg0 : i32
    %jit3A = arith.constant 8 : i32
    %div3A = arith.divsi %add3A, %jit3A : i32
    %sign3A = arith.constant 0 : i32
    %sign3A_1 = arith.cmpi sgt, %add3A, %sign3A : i32
    %sign3A_2 = arith.extui %sign3A_1 : i1 to i32
    %sign3A_3 = arith.constant 0 : i32
    %sign3A_4 = arith.cmpi slt, %add3A, %sign3A_3 : i32
    %sign3A_5 = arith.extui %sign3A_4 : i1 to i32
    %sign3A_6 = arith.subi %sign3A_2, %sign3A_5 : i32
    %sign3A_7 = arith.constant 0 : i32
    %sign3A_8 = arith.cmpi sgt, %jit3A, %sign3A_7 : i32
    %sign3A_9 = arith.extui %sign3A_8 : i1 to i32
    %sign3A_10 = arith.constant 0 : i32
    %sign3A_11 = arith.cmpi slt, %jit3A, %sign3A_10 : i32
    %sign3A_12 = arith.extui %sign3A_11 : i1 to i32
    %sign3A_13 = arith.subi %sign3A_9, %sign3A_12 : i32
    %ne3A = arith.cmpi ne, %sign3A_6, %sign3A_13 : i32
    %rem3A = arith.remsi %add3A, %jit3A : i32
    %ne3A_14 = arith.constant 0 : i32
    %ne3A_15 = arith.cmpi ne, %rem3A, %ne3A_14 : i32
    %and3A = arith.andi %ne3A, %ne3A_15 : i1
    %sub3A = arith.constant 1 : i32
    %sub3A_16 = arith.subi %div3A, %sub3A : i32
    %select_n3A = arith.select %and3A, %sub3A_16, %div3A : i32
    %jit3A_17 = arith.constant 8 : i32
    %eq3A = arith.constant 0 : i32
    %eq3A_18 = arith.cmpi eq, %jit3A_17, %eq3A : i32
    %jit3A_19 = arith.constant 1 : i32
    %select_n3A_20 = arith.select %eq3A_18, %jit3A_19, %jit3A_17 : i32
    %rem3A_21 = arith.remsi %add3A, %select_n3A_20 : i32
    %ne3A_22 = arith.constant 0 : i32
    %ne3A_23 = arith.cmpi ne, %rem3A_21, %ne3A_22 : i32
    %lt3A = arith.constant 0 : i32
    %lt3A_24 = arith.cmpi slt, %rem3A_21, %lt3A : i32
    %lt3A_25 = arith.constant 0 : i32
    %lt3A_26 = arith.cmpi slt, %select_n3A_20, %lt3A_25 : i32
    %ne3A_27 = arith.xori %lt3A_24, %lt3A_26 : i1
    %and3A_28 = arith.andi %ne3A_27, %ne3A_23 : i1
    %add3A_29 = arith.addi %rem3A_21, %select_n3A_20 : i32
    %select_n3A_30 = arith.select %and3A_28, %add3A_29, %rem3A_21 : i32
    %mul3A_31 = arith.constant 256 : i32
    %mul3A_32 = arith.muli %select_n3A_30, %mul3A_31 : i32
    "tpu.region"() ({
      %run_scoped3A = tpu.sem_alloc : memref<!tpu.dma_semaphore, #tpu.memory_space<semaphore_mem>>
      %dma_start3A_223 = tpu.memref_slice %arg2[%select_n3A, %mul3A_32] : memref<4x2048xi32, #tpu.memory_space<hbm>> -> memref<1x256xi32, #tpu.memory_space<hbm>>
      %dma_start3A_224 = tpu.memref_squeeze %dma_start3A_223 : memref<1x256xi32, #tpu.memory_space<hbm>> -> memref<256xi32, #tpu.memory_space<hbm>>
      %dma_start3A_225 = tpu.memref_slice %arg2[%select_n3A, %mul3A_32] : memref<4x2048xi32, #tpu.memory_space<hbm>> -> memref<1x256xi32, #tpu.memory_space<hbm>>
      %dma_start3A_226 = tpu.memref_squeeze %dma_start3A_225 : memref<1x256xi32, #tpu.memory_space<hbm>> -> memref<256xi32, #tpu.memory_space<hbm>>
      tpu.enqueue_dma source(%dma_start3A_226 : memref<256xi32, #tpu.memory_space<hbm>>) target(%arg5 : memref<256xi32, #tpu.memory_space<vmem>>) target_semaphore(%run_scoped3A : memref<!tpu.dma_semaphore, #tpu.memory_space<semaphore_mem>>)
      %dma_wait3A_227 = tpu.memref_slice %arg2[%select_n3A, %mul3A_32] : memref<4x2048xi32, #tpu.memory_space<hbm>> -> memref<1x256xi32, #tpu.memory_space<hbm>>
      %dma_wait3A_228 = tpu.memref_squeeze %dma_wait3A_227 : memref<1x256xi32, #tpu.memory_space<hbm>> -> memref<256xi32, #tpu.memory_space<hbm>>
      %dma_wait3A_229 = tpu.memref_slice %arg2[%select_n3A, %mul3A_32] : memref<4x2048xi32, #tpu.memory_space<hbm>> -> memref<1x256xi32, #tpu.memory_space<hbm>>
      %dma_wait3A_230 = tpu.memref_squeeze %dma_wait3A_229 : memref<1x256xi32, #tpu.memory_space<hbm>> -> memref<256xi32, #tpu.memory_space<hbm>>
      tpu.wait_dma2 semaphore(%run_scoped3A : memref<!tpu.dma_semaphore, #tpu.memory_space<semaphore_mem>>) src(%dma_wait3A_230 : memref<256xi32, #tpu.memory_space<hbm>>) dst(%arg5 : memref<256xi32, #tpu.memory_space<vmem>>)
      tpu.yield
    }) : () -> ()
    %dma_start3A = arith.constant 0 : i32
    %dma_start3A_33 = tpu.memref_slice %arg5[%dma_start3A] : memref<256xi32, #tpu.memory_space<vmem>> -> memref<32xi32, #tpu.memory_space<vmem>>
    %dma_start3A_34 = arith.constant 0 : i32
    %dma_start3A_35 = arith.constant 0 : i32
    %dma_start3A_36 = tpu.memref_slice %arg3[%dma_start3A_34, %dma_start3A_35] : memref<100000x768xf32, #tpu.memory_space<hbm>> -> memref<100000x768xf32, #tpu.memory_space<hbm>>
    tpu.enqueue_indirect_dma source(%dma_start3A_36 : memref<100000x768xf32, #tpu.memory_space<hbm>>) target(%arg6 : memref<32x768xf32, #tpu.memory_space<vmem>>) offsets(%dma_start3A_33 : memref<32xi32, #tpu.memory_space<vmem>>) semaphore(%arg11 : memref<!tpu.dma_semaphore, #tpu.memory_space<semaphore_mem>>)
    %dma_start3A_37 = arith.constant 32 : i32
    %dma_start3A_38 = tpu.memref_slice %arg5[%dma_start3A_37] : memref<256xi32, #tpu.memory_space<vmem>> -> memref<32xi32, #tpu.memory_space<vmem>>
    %dma_start3A_39 = arith.constant 0 : i32
    %dma_start3A_40 = arith.constant 0 : i32
    %dma_start3A_41 = tpu.memref_slice %arg3[%dma_start3A_39, %dma_start3A_40] : memref<100000x768xf32, #tpu.memory_space<hbm>> -> memref<100000x768xf32, #tpu.memory_space<hbm>>
    tpu.enqueue_indirect_dma source(%dma_start3A_41 : memref<100000x768xf32, #tpu.memory_space<hbm>>) target(%arg7 : memref<32x768xf32, #tpu.memory_space<vmem>>) offsets(%dma_start3A_38 : memref<32xi32, #tpu.memory_space<vmem>>) semaphore(%arg11 : memref<!tpu.dma_semaphore, #tpu.memory_space<semaphore_mem>>)
    %dma_start3A_42 = arith.constant 64 : i32
    %dma_start3A_43 = tpu.memref_slice %arg5[%dma_start3A_42] : memref<256xi32, #tpu.memory_space<vmem>> -> memref<32xi32, #tpu.memory_space<vmem>>
    %dma_start3A_44 = arith.constant 0 : i32
    %dma_start3A_45 = arith.constant 0 : i32
    %dma_start3A_46 = tpu.memref_slice %arg3[%dma_start3A_44, %dma_start3A_45] : memref<100000x768xf32, #tpu.memory_space<hbm>> -> memref<100000x768xf32, #tpu.memory_space<hbm>>
    tpu.enqueue_indirect_dma source(%dma_start3A_46 : memref<100000x768xf32, #tpu.memory_space<hbm>>) target(%arg8 : memref<32x768xf32, #tpu.memory_space<vmem>>) offsets(%dma_start3A_43 : memref<32xi32, #tpu.memory_space<vmem>>) semaphore(%arg11 : memref<!tpu.dma_semaphore, #tpu.memory_space<semaphore_mem>>)
    %dma_start3A_47 = arith.constant 96 : i32
    %dma_start3A_48 = tpu.memref_slice %arg5[%dma_start3A_47] : memref<256xi32, #tpu.memory_space<vmem>> -> memref<32xi32, #tpu.memory_space<vmem>>
    %dma_start3A_49 = arith.constant 0 : i32
    %dma_start3A_50 = arith.constant 0 : i32
    %dma_start3A_51 = tpu.memref_slice %arg3[%dma_start3A_49, %dma_start3A_50] : memref<100000x768xf32, #tpu.memory_space<hbm>> -> memref<100000x768xf32, #tpu.memory_space<hbm>>
    tpu.enqueue_indirect_dma source(%dma_start3A_51 : memref<100000x768xf32, #tpu.memory_space<hbm>>) target(%arg9 : memref<32x768xf32, #tpu.memory_space<vmem>>) offsets(%dma_start3A_48 : memref<32xi32, #tpu.memory_space<vmem>>) semaphore(%arg11 : memref<!tpu.dma_semaphore, #tpu.memory_space<semaphore_mem>>)
    %dma_start3A_52 = arith.constant 128 : i32
    %dma_start3A_53 = tpu.memref_slice %arg5[%dma_start3A_52] : memref<256xi32, #tpu.memory_space<vmem>> -> memref<32xi32, #tpu.memory_space<vmem>>
    %dma_start3A_54 = arith.constant 0 : i32
    %dma_start3A_55 = arith.constant 0 : i32
    %dma_start3A_56 = tpu.memref_slice %arg3[%dma_start3A_54, %dma_start3A_55] : memref<100000x768xf32, #tpu.memory_space<hbm>> -> memref<100000x768xf32, #tpu.memory_space<hbm>>
    tpu.enqueue_indirect_dma source(%dma_start3A_56 : memref<100000x768xf32, #tpu.memory_space<hbm>>) target(%arg10 : memref<32x768xf32, #tpu.memory_space<vmem>>) offsets(%dma_start3A_53 : memref<32xi32, #tpu.memory_space<vmem>>) semaphore(%arg11 : memref<!tpu.dma_semaphore, #tpu.memory_space<semaphore_mem>>)
    %dma_wait3A = arith.constant 0 : i32
    %dma_wait3A_57 = tpu.memref_slice %arg5[%dma_wait3A] : memref<256xi32, #tpu.memory_space<vmem>> -> memref<32xi32, #tpu.memory_space<vmem>>
    %dma_wait3A_58 = arith.constant 0 : i32
    %dma_wait3A_59 = arith.constant 0 : i32
    %dma_wait3A_60 = tpu.memref_slice %arg3[%dma_wait3A_58, %dma_wait3A_59] : memref<100000x768xf32, #tpu.memory_space<hbm>> -> memref<100000x768xf32, #tpu.memory_space<hbm>>
    tpu.wait_indirect_dma semaphore(%arg11 : memref<!tpu.dma_semaphore, #tpu.memory_space<semaphore_mem>>) src(%dma_wait3A_60 : memref<100000x768xf32, #tpu.memory_space<hbm>>) dst(%arg6 : memref<32x768xf32, #tpu.memory_space<vmem>>)
    %add3A_61 = arith.constant 0 : i32
    %add3A_62 = arith.addi %mul3A_32, %add3A_61 : i32
    %dma_start3A_63 = arith.constant 0 : i32
    %dma_start3A_64 = tpu.memref_slice %arg4[%select_n3A, %add3A_62, %dma_start3A_63] : memref<4x2048x768xf32, #tpu.memory_space<hbm>> -> memref<1x32x768xf32, #tpu.memory_space<hbm>>
    %dma_start3A_65 = tpu.memref_squeeze %dma_start3A_64 : memref<1x32x768xf32, #tpu.memory_space<hbm>> -> memref<32x768xf32, #tpu.memory_space<hbm>>
    %dma_start3A_66 = arith.constant 0 : i32
    %dma_start3A_67 = tpu.memref_slice %arg4[%select_n3A, %add3A_62, %dma_start3A_66] : memref<4x2048x768xf32, #tpu.memory_space<hbm>> -> memref<1x32x768xf32, #tpu.memory_space<hbm>>
    %dma_start3A_68 = tpu.memref_squeeze %dma_start3A_67 : memref<1x32x768xf32, #tpu.memory_space<hbm>> -> memref<32x768xf32, #tpu.memory_space<hbm>>
    tpu.enqueue_dma source(%arg6 : memref<32x768xf32, #tpu.memory_space<vmem>>) target(%dma_start3A_68 : memref<32x768xf32, #tpu.memory_space<hbm>>) target_semaphore(%arg12 : memref<!tpu.dma_semaphore, #tpu.memory_space<semaphore_mem>>)
    %dma_wait3A_69 = arith.constant 32 : i32
    %dma_wait3A_70 = tpu.memref_slice %arg5[%dma_wait3A_69] : memref<256xi32, #tpu.memory_space<vmem>> -> memref<32xi32, #tpu.memory_space<vmem>>
    %dma_wait3A_71 = arith.constant 0 : i32
    %dma_wait3A_72 = arith.constant 0 : i32
    %dma_wait3A_73 = tpu.memref_slice %arg3[%dma_wait3A_71, %dma_wait3A_72] : memref<100000x768xf32, #tpu.memory_space<hbm>> -> memref<100000x768xf32, #tpu.memory_space<hbm>>
    tpu.wait_indirect_dma semaphore(%arg11 : memref<!tpu.dma_semaphore, #tpu.memory_space<semaphore_mem>>) src(%dma_wait3A_73 : memref<100000x768xf32, #tpu.memory_space<hbm>>) dst(%arg7 : memref<32x768xf32, #tpu.memory_space<vmem>>)
    %add3A_74 = arith.constant 32 : i32
    %add3A_75 = arith.addi %mul3A_32, %add3A_74 : i32
    %dma_start3A_76 = arith.constant 0 : i32
    %dma_start3A_77 = tpu.memref_slice %arg4[%select_n3A, %add3A_75, %dma_start3A_76] : memref<4x2048x768xf32, #tpu.memory_space<hbm>> -> memref<1x32x768xf32, #tpu.memory_space<hbm>>
    %dma_start3A_78 = tpu.memref_squeeze %dma_start3A_77 : memref<1x32x768xf32, #tpu.memory_space<hbm>> -> memref<32x768xf32, #tpu.memory_space<hbm>>
    %dma_start3A_79 = arith.constant 0 : i32
    %dma_start3A_80 = tpu.memref_slice %arg4[%select_n3A, %add3A_75, %dma_start3A_79] : memref<4x2048x768xf32, #tpu.memory_space<hbm>> -> memref<1x32x768xf32, #tpu.memory_space<hbm>>
    %dma_start3A_81 = tpu.memref_squeeze %dma_start3A_80 : memref<1x32x768xf32, #tpu.memory_space<hbm>> -> memref<32x768xf32, #tpu.memory_space<hbm>>
    tpu.enqueue_dma source(%arg7 : memref<32x768xf32, #tpu.memory_space<vmem>>) target(%dma_start3A_81 : memref<32x768xf32, #tpu.memory_space<hbm>>) target_semaphore(%arg12 : memref<!tpu.dma_semaphore, #tpu.memory_space<semaphore_mem>>)
    %dma_wait3A_82 = arith.constant 64 : i32
    %dma_wait3A_83 = tpu.memref_slice %arg5[%dma_wait3A_82] : memref<256xi32, #tpu.memory_space<vmem>> -> memref<32xi32, #tpu.memory_space<vmem>>
    %dma_wait3A_84 = arith.constant 0 : i32
    %dma_wait3A_85 = arith.constant 0 : i32
    %dma_wait3A_86 = tpu.memref_slice %arg3[%dma_wait3A_84, %dma_wait3A_85] : memref<100000x768xf32, #tpu.memory_space<hbm>> -> memref<100000x768xf32, #tpu.memory_space<hbm>>
    tpu.wait_indirect_dma semaphore(%arg11 : memref<!tpu.dma_semaphore, #tpu.memory_space<semaphore_mem>>) src(%dma_wait3A_86 : memref<100000x768xf32, #tpu.memory_space<hbm>>) dst(%arg8 : memref<32x768xf32, #tpu.memory_space<vmem>>)
    %add3A_87 = arith.constant 64 : i32
    %add3A_88 = arith.addi %mul3A_32, %add3A_87 : i32
    %dma_start3A_89 = arith.constant 0 : i32
    %dma_start3A_90 = tpu.memref_slice %arg4[%select_n3A, %add3A_88, %dma_start3A_89] : memref<4x2048x768xf32, #tpu.memory_space<hbm>> -> memref<1x32x768xf32, #tpu.memory_space<hbm>>
    %dma_start3A_91 = tpu.memref_squeeze %dma_start3A_90 : memref<1x32x768xf32, #tpu.memory_space<hbm>> -> memref<32x768xf32, #tpu.memory_space<hbm>>
    %dma_start3A_92 = arith.constant 0 : i32
    %dma_start3A_93 = tpu.memref_slice %arg4[%select_n3A, %add3A_88, %dma_start3A_92] : memref<4x2048x768xf32, #tpu.memory_space<hbm>> -> memref<1x32x768xf32, #tpu.memory_space<hbm>>
    %dma_start3A_94 = tpu.memref_squeeze %dma_start3A_93 : memref<1x32x768xf32, #tpu.memory_space<hbm>> -> memref<32x768xf32, #tpu.memory_space<hbm>>
    tpu.enqueue_dma source(%arg8 : memref<32x768xf32, #tpu.memory_space<vmem>>) target(%dma_start3A_94 : memref<32x768xf32, #tpu.memory_space<hbm>>) target_semaphore(%arg12 : memref<!tpu.dma_semaphore, #tpu.memory_space<semaphore_mem>>)
    %dma_wait3A_95 = arith.constant 96 : i32
    %dma_wait3A_96 = tpu.memref_slice %arg5[%dma_wait3A_95] : memref<256xi32, #tpu.memory_space<vmem>> -> memref<32xi32, #tpu.memory_space<vmem>>
    %dma_wait3A_97 = arith.constant 0 : i32
    %dma_wait3A_98 = arith.constant 0 : i32
    %dma_wait3A_99 = tpu.memref_slice %arg3[%dma_wait3A_97, %dma_wait3A_98] : memref<100000x768xf32, #tpu.memory_space<hbm>> -> memref<100000x768xf32, #tpu.memory_space<hbm>>
    tpu.wait_indirect_dma semaphore(%arg11 : memref<!tpu.dma_semaphore, #tpu.memory_space<semaphore_mem>>) src(%dma_wait3A_99 : memref<100000x768xf32, #tpu.memory_space<hbm>>) dst(%arg9 : memref<32x768xf32, #tpu.memory_space<vmem>>)
    %add3A_100 = arith.constant 96 : i32
    %add3A_101 = arith.addi %mul3A_32, %add3A_100 : i32
    %dma_start3A_102 = arith.constant 0 : i32
    %dma_start3A_103 = tpu.memref_slice %arg4[%select_n3A, %add3A_101, %dma_start3A_102] : memref<4x2048x768xf32, #tpu.memory_space<hbm>> -> memref<1x32x768xf32, #tpu.memory_space<hbm>>
    %dma_start3A_104 = tpu.memref_squeeze %dma_start3A_103 : memref<1x32x768xf32, #tpu.memory_space<hbm>> -> memref<32x768xf32, #tpu.memory_space<hbm>>
    %dma_start3A_105 = arith.constant 0 : i32
    %dma_start3A_106 = tpu.memref_slice %arg4[%select_n3A, %add3A_101, %dma_start3A_105] : memref<4x2048x768xf32, #tpu.memory_space<hbm>> -> memref<1x32x768xf32, #tpu.memory_space<hbm>>
    %dma_start3A_107 = tpu.memref_squeeze %dma_start3A_106 : memref<1x32x768xf32, #tpu.memory_space<hbm>> -> memref<32x768xf32, #tpu.memory_space<hbm>>
    tpu.enqueue_dma source(%arg9 : memref<32x768xf32, #tpu.memory_space<vmem>>) target(%dma_start3A_107 : memref<32x768xf32, #tpu.memory_space<hbm>>) target_semaphore(%arg12 : memref<!tpu.dma_semaphore, #tpu.memory_space<semaphore_mem>>)
    %dma_wait3A_108 = arith.constant 0 : i32
    %dma_wait3A_109 = tpu.memref_slice %arg4[%select_n3A, %add3A_62, %dma_wait3A_108] : memref<4x2048x768xf32, #tpu.memory_space<hbm>> -> memref<1x32x768xf32, #tpu.memory_space<hbm>>
    %dma_wait3A_110 = tpu.memref_squeeze %dma_wait3A_109 : memref<1x32x768xf32, #tpu.memory_space<hbm>> -> memref<32x768xf32, #tpu.memory_space<hbm>>
    %dma_wait3A_111 = arith.constant 0 : i32
    %dma_wait3A_112 = tpu.memref_slice %arg4[%select_n3A, %add3A_62, %dma_wait3A_111] : memref<4x2048x768xf32, #tpu.memory_space<hbm>> -> memref<1x32x768xf32, #tpu.memory_space<hbm>>
    %dma_wait3A_113 = tpu.memref_squeeze %dma_wait3A_112 : memref<1x32x768xf32, #tpu.memory_space<hbm>> -> memref<32x768xf32, #tpu.memory_space<hbm>>
    tpu.wait_dma2 semaphore(%arg12 : memref<!tpu.dma_semaphore, #tpu.memory_space<semaphore_mem>>) src(%arg6 : memref<32x768xf32, #tpu.memory_space<vmem>>) dst(%dma_wait3A_113 : memref<32x768xf32, #tpu.memory_space<hbm>>)
    %dma_start3A_114 = arith.constant 160 : i32
    %dma_start3A_115 = tpu.memref_slice %arg5[%dma_start3A_114] : memref<256xi32, #tpu.memory_space<vmem>> -> memref<32xi32, #tpu.memory_space<vmem>>
    %dma_start3A_116 = arith.constant 0 : i32
    %dma_start3A_117 = arith.constant 0 : i32
    %dma_start3A_118 = tpu.memref_slice %arg3[%dma_start3A_116, %dma_start3A_117] : memref<100000x768xf32, #tpu.memory_space<hbm>> -> memref<100000x768xf32, #tpu.memory_space<hbm>>
    tpu.enqueue_indirect_dma source(%dma_start3A_118 : memref<100000x768xf32, #tpu.memory_space<hbm>>) target(%arg6 : memref<32x768xf32, #tpu.memory_space<vmem>>) offsets(%dma_start3A_115 : memref<32xi32, #tpu.memory_space<vmem>>) semaphore(%arg11 : memref<!tpu.dma_semaphore, #tpu.memory_space<semaphore_mem>>)
    %dma_wait3A_119 = arith.constant 128 : i32
    %dma_wait3A_120 = tpu.memref_slice %arg5[%dma_wait3A_119] : memref<256xi32, #tpu.memory_space<vmem>> -> memref<32xi32, #tpu.memory_space<vmem>>
    %dma_wait3A_121 = arith.constant 0 : i32
    %dma_wait3A_122 = arith.constant 0 : i32
    %dma_wait3A_123 = tpu.memref_slice %arg3[%dma_wait3A_121, %dma_wait3A_122] : memref<100000x768xf32, #tpu.memory_space<hbm>> -> memref<100000x768xf32, #tpu.memory_space<hbm>>
    tpu.wait_indirect_dma semaphore(%arg11 : memref<!tpu.dma_semaphore, #tpu.memory_space<semaphore_mem>>) src(%dma_wait3A_123 : memref<100000x768xf32, #tpu.memory_space<hbm>>) dst(%arg10 : memref<32x768xf32, #tpu.memory_space<vmem>>)
    %add3A_124 = arith.constant 128 : i32
    %add3A_125 = arith.addi %mul3A_32, %add3A_124 : i32
    %dma_start3A_126 = arith.constant 0 : i32
    %dma_start3A_127 = tpu.memref_slice %arg4[%select_n3A, %add3A_125, %dma_start3A_126] : memref<4x2048x768xf32, #tpu.memory_space<hbm>> -> memref<1x32x768xf32, #tpu.memory_space<hbm>>
    %dma_start3A_128 = tpu.memref_squeeze %dma_start3A_127 : memref<1x32x768xf32, #tpu.memory_space<hbm>> -> memref<32x768xf32, #tpu.memory_space<hbm>>
    %dma_start3A_129 = arith.constant 0 : i32
    %dma_start3A_130 = tpu.memref_slice %arg4[%select_n3A, %add3A_125, %dma_start3A_129] : memref<4x2048x768xf32, #tpu.memory_space<hbm>> -> memref<1x32x768xf32, #tpu.memory_space<hbm>>
    %dma_start3A_131 = tpu.memref_squeeze %dma_start3A_130 : memref<1x32x768xf32, #tpu.memory_space<hbm>> -> memref<32x768xf32, #tpu.memory_space<hbm>>
    tpu.enqueue_dma source(%arg10 : memref<32x768xf32, #tpu.memory_space<vmem>>) target(%dma_start3A_131 : memref<32x768xf32, #tpu.memory_space<hbm>>) target_semaphore(%arg12 : memref<!tpu.dma_semaphore, #tpu.memory_space<semaphore_mem>>)
    %dma_wait3A_132 = arith.constant 0 : i32
    %dma_wait3A_133 = tpu.memref_slice %arg4[%select_n3A, %add3A_75, %dma_wait3A_132] : memref<4x2048x768xf32, #tpu.memory_space<hbm>> -> memref<1x32x768xf32, #tpu.memory_space<hbm>>
    %dma_wait3A_134 = tpu.memref_squeeze %dma_wait3A_133 : memref<1x32x768xf32, #tpu.memory_space<hbm>> -> memref<32x768xf32, #tpu.memory_space<hbm>>
    %dma_wait3A_135 = arith.constant 0 : i32
    %dma_wait3A_136 = tpu.memref_slice %arg4[%select_n3A, %add3A_75, %dma_wait3A_135] : memref<4x2048x768xf32, #tpu.memory_space<hbm>> -> memref<1x32x768xf32, #tpu.memory_space<hbm>>
    %dma_wait3A_137 = tpu.memref_squeeze %dma_wait3A_136 : memref<1x32x768xf32, #tpu.memory_space<hbm>> -> memref<32x768xf32, #tpu.memory_space<hbm>>
    tpu.wait_dma2 semaphore(%arg12 : memref<!tpu.dma_semaphore, #tpu.memory_space<semaphore_mem>>) src(%arg7 : memref<32x768xf32, #tpu.memory_space<vmem>>) dst(%dma_wait3A_137 : memref<32x768xf32, #tpu.memory_space<hbm>>)
    %dma_start3A_138 = arith.constant 192 : i32
    %dma_start3A_139 = tpu.memref_slice %arg5[%dma_start3A_138] : memref<256xi32, #tpu.memory_space<vmem>> -> memref<32xi32, #tpu.memory_space<vmem>>
    %dma_start3A_140 = arith.constant 0 : i32
    %dma_start3A_141 = arith.constant 0 : i32
    %dma_start3A_142 = tpu.memref_slice %arg3[%dma_start3A_140, %dma_start3A_141] : memref<100000x768xf32, #tpu.memory_space<hbm>> -> memref<100000x768xf32, #tpu.memory_space<hbm>>
    tpu.enqueue_indirect_dma source(%dma_start3A_142 : memref<100000x768xf32, #tpu.memory_space<hbm>>) target(%arg7 : memref<32x768xf32, #tpu.memory_space<vmem>>) offsets(%dma_start3A_139 : memref<32xi32, #tpu.memory_space<vmem>>) semaphore(%arg11 : memref<!tpu.dma_semaphore, #tpu.memory_space<semaphore_mem>>)
    %dma_wait3A_143 = arith.constant 160 : i32
    %dma_wait3A_144 = tpu.memref_slice %arg5[%dma_wait3A_143] : memref<256xi32, #tpu.memory_space<vmem>> -> memref<32xi32, #tpu.memory_space<vmem>>
    %dma_wait3A_145 = arith.constant 0 : i32
    %dma_wait3A_146 = arith.constant 0 : i32
    %dma_wait3A_147 = tpu.memref_slice %arg3[%dma_wait3A_145, %dma_wait3A_146] : memref<100000x768xf32, #tpu.memory_space<hbm>> -> memref<100000x768xf32, #tpu.memory_space<hbm>>
    tpu.wait_indirect_dma semaphore(%arg11 : memref<!tpu.dma_semaphore, #tpu.memory_space<semaphore_mem>>) src(%dma_wait3A_147 : memref<100000x768xf32, #tpu.memory_space<hbm>>) dst(%arg6 : memref<32x768xf32, #tpu.memory_space<vmem>>)
    %add3A_148 = arith.constant 160 : i32
    %add3A_149 = arith.addi %mul3A_32, %add3A_148 : i32
    %dma_start3A_150 = arith.constant 0 : i32
    %dma_start3A_151 = tpu.memref_slice %arg4[%select_n3A, %add3A_149, %dma_start3A_150] : memref<4x2048x768xf32, #tpu.memory_space<hbm>> -> memref<1x32x768xf32, #tpu.memory_space<hbm>>
    %dma_start3A_152 = tpu.memref_squeeze %dma_start3A_151 : memref<1x32x768xf32, #tpu.memory_space<hbm>> -> memref<32x768xf32, #tpu.memory_space<hbm>>
    %dma_start3A_153 = arith.constant 0 : i32
    %dma_start3A_154 = tpu.memref_slice %arg4[%select_n3A, %add3A_149, %dma_start3A_153] : memref<4x2048x768xf32, #tpu.memory_space<hbm>> -> memref<1x32x768xf32, #tpu.memory_space<hbm>>
    %dma_start3A_155 = tpu.memref_squeeze %dma_start3A_154 : memref<1x32x768xf32, #tpu.memory_space<hbm>> -> memref<32x768xf32, #tpu.memory_space<hbm>>
    tpu.enqueue_dma source(%arg6 : memref<32x768xf32, #tpu.memory_space<vmem>>) target(%dma_start3A_155 : memref<32x768xf32, #tpu.memory_space<hbm>>) target_semaphore(%arg12 : memref<!tpu.dma_semaphore, #tpu.memory_space<semaphore_mem>>)
    %dma_wait3A_156 = arith.constant 0 : i32
    %dma_wait3A_157 = tpu.memref_slice %arg4[%select_n3A, %add3A_88, %dma_wait3A_156] : memref<4x2048x768xf32, #tpu.memory_space<hbm>> -> memref<1x32x768xf32, #tpu.memory_space<hbm>>
    %dma_wait3A_158 = tpu.memref_squeeze %dma_wait3A_157 : memref<1x32x768xf32, #tpu.memory_space<hbm>> -> memref<32x768xf32, #tpu.memory_space<hbm>>
    %dma_wait3A_159 = arith.constant 0 : i32
    %dma_wait3A_160 = tpu.memref_slice %arg4[%select_n3A, %add3A_88, %dma_wait3A_159] : memref<4x2048x768xf32, #tpu.memory_space<hbm>> -> memref<1x32x768xf32, #tpu.memory_space<hbm>>
    %dma_wait3A_161 = tpu.memref_squeeze %dma_wait3A_160 : memref<1x32x768xf32, #tpu.memory_space<hbm>> -> memref<32x768xf32, #tpu.memory_space<hbm>>
    tpu.wait_dma2 semaphore(%arg12 : memref<!tpu.dma_semaphore, #tpu.memory_space<semaphore_mem>>) src(%arg8 : memref<32x768xf32, #tpu.memory_space<vmem>>) dst(%dma_wait3A_161 : memref<32x768xf32, #tpu.memory_space<hbm>>)
    %dma_start3A_162 = arith.constant 224 : i32
    %dma_start3A_163 = tpu.memref_slice %arg5[%dma_start3A_162] : memref<256xi32, #tpu.memory_space<vmem>> -> memref<32xi32, #tpu.memory_space<vmem>>
    %dma_start3A_164 = arith.constant 0 : i32
    %dma_start3A_165 = arith.constant 0 : i32
    %dma_start3A_166 = tpu.memref_slice %arg3[%dma_start3A_164, %dma_start3A_165] : memref<100000x768xf32, #tpu.memory_space<hbm>> -> memref<100000x768xf32, #tpu.memory_space<hbm>>
    tpu.enqueue_indirect_dma source(%dma_start3A_166 : memref<100000x768xf32, #tpu.memory_space<hbm>>) target(%arg8 : memref<32x768xf32, #tpu.memory_space<vmem>>) offsets(%dma_start3A_163 : memref<32xi32, #tpu.memory_space<vmem>>) semaphore(%arg11 : memref<!tpu.dma_semaphore, #tpu.memory_space<semaphore_mem>>)
    %dma_wait3A_167 = arith.constant 192 : i32
    %dma_wait3A_168 = tpu.memref_slice %arg5[%dma_wait3A_167] : memref<256xi32, #tpu.memory_space<vmem>> -> memref<32xi32, #tpu.memory_space<vmem>>
    %dma_wait3A_169 = arith.constant 0 : i32
    %dma_wait3A_170 = arith.constant 0 : i32
    %dma_wait3A_171 = tpu.memref_slice %arg3[%dma_wait3A_169, %dma_wait3A_170] : memref<100000x768xf32, #tpu.memory_space<hbm>> -> memref<100000x768xf32, #tpu.memory_space<hbm>>
    tpu.wait_indirect_dma semaphore(%arg11 : memref<!tpu.dma_semaphore, #tpu.memory_space<semaphore_mem>>) src(%dma_wait3A_171 : memref<100000x768xf32, #tpu.memory_space<hbm>>) dst(%arg7 : memref<32x768xf32, #tpu.memory_space<vmem>>)
    %add3A_172 = arith.constant 192 : i32
    %add3A_173 = arith.addi %mul3A_32, %add3A_172 : i32
    %dma_start3A_174 = arith.constant 0 : i32
    %dma_start3A_175 = tpu.memref_slice %arg4[%select_n3A, %add3A_173, %dma_start3A_174] : memref<4x2048x768xf32, #tpu.memory_space<hbm>> -> memref<1x32x768xf32, #tpu.memory_space<hbm>>
    %dma_start3A_176 = tpu.memref_squeeze %dma_start3A_175 : memref<1x32x768xf32, #tpu.memory_space<hbm>> -> memref<32x768xf32, #tpu.memory_space<hbm>>
    %dma_start3A_177 = arith.constant 0 : i32
    %dma_start3A_178 = tpu.memref_slice %arg4[%select_n3A, %add3A_173, %dma_start3A_177] : memref<4x2048x768xf32, #tpu.memory_space<hbm>> -> memref<1x32x768xf32, #tpu.memory_space<hbm>>
    %dma_start3A_179 = tpu.memref_squeeze %dma_start3A_178 : memref<1x32x768xf32, #tpu.memory_space<hbm>> -> memref<32x768xf32, #tpu.memory_space<hbm>>
    tpu.enqueue_dma source(%arg7 : memref<32x768xf32, #tpu.memory_space<vmem>>) target(%dma_start3A_179 : memref<32x768xf32, #tpu.memory_space<hbm>>) target_semaphore(%arg12 : memref<!tpu.dma_semaphore, #tpu.memory_space<semaphore_mem>>)
    %dma_wait3A_180 = arith.constant 224 : i32
    %dma_wait3A_181 = tpu.memref_slice %arg5[%dma_wait3A_180] : memref<256xi32, #tpu.memory_space<vmem>> -> memref<32xi32, #tpu.memory_space<vmem>>
    %dma_wait3A_182 = arith.constant 0 : i32
    %dma_wait3A_183 = arith.constant 0 : i32
    %dma_wait3A_184 = tpu.memref_slice %arg3[%dma_wait3A_182, %dma_wait3A_183] : memref<100000x768xf32, #tpu.memory_space<hbm>> -> memref<100000x768xf32, #tpu.memory_space<hbm>>
    tpu.wait_indirect_dma semaphore(%arg11 : memref<!tpu.dma_semaphore, #tpu.memory_space<semaphore_mem>>) src(%dma_wait3A_184 : memref<100000x768xf32, #tpu.memory_space<hbm>>) dst(%arg8 : memref<32x768xf32, #tpu.memory_space<vmem>>)
    %add3A_185 = arith.constant 224 : i32
    %add3A_186 = arith.addi %mul3A_32, %add3A_185 : i32
    %dma_start3A_187 = arith.constant 0 : i32
    %dma_start3A_188 = tpu.memref_slice %arg4[%select_n3A, %add3A_186, %dma_start3A_187] : memref<4x2048x768xf32, #tpu.memory_space<hbm>> -> memref<1x32x768xf32, #tpu.memory_space<hbm>>
    %dma_start3A_189 = tpu.memref_squeeze %dma_start3A_188 : memref<1x32x768xf32, #tpu.memory_space<hbm>> -> memref<32x768xf32, #tpu.memory_space<hbm>>
    %dma_start3A_190 = arith.constant 0 : i32
    %dma_start3A_191 = tpu.memref_slice %arg4[%select_n3A, %add3A_186, %dma_start3A_190] : memref<4x2048x768xf32, #tpu.memory_space<hbm>> -> memref<1x32x768xf32, #tpu.memory_space<hbm>>
    %dma_start3A_192 = tpu.memref_squeeze %dma_start3A_191 : memref<1x32x768xf32, #tpu.memory_space<hbm>> -> memref<32x768xf32, #tpu.memory_space<hbm>>
    tpu.enqueue_dma source(%arg8 : memref<32x768xf32, #tpu.memory_space<vmem>>) target(%dma_start3A_192 : memref<32x768xf32, #tpu.memory_space<hbm>>) target_semaphore(%arg12 : memref<!tpu.dma_semaphore, #tpu.memory_space<semaphore_mem>>)
    %dma_wait3A_193 = arith.constant 0 : i32
    %dma_wait3A_194 = tpu.memref_slice %arg4[%select_n3A, %add3A_149, %dma_wait3A_193] : memref<4x2048x768xf32, #tpu.memory_space<hbm>> -> memref<1x32x768xf32, #tpu.memory_space<hbm>>
    %dma_wait3A_195 = tpu.memref_squeeze %dma_wait3A_194 : memref<1x32x768xf32, #tpu.memory_space<hbm>> -> memref<32x768xf32, #tpu.memory_space<hbm>>
    %dma_wait3A_196 = arith.constant 0 : i32
    %dma_wait3A_197 = tpu.memref_slice %arg4[%select_n3A, %add3A_149, %dma_wait3A_196] : memref<4x2048x768xf32, #tpu.memory_space<hbm>> -> memref<1x32x768xf32, #tpu.memory_space<hbm>>
    %dma_wait3A_198 = tpu.memref_squeeze %dma_wait3A_197 : memref<1x32x768xf32, #tpu.memory_space<hbm>> -> memref<32x768xf32, #tpu.memory_space<hbm>>
    tpu.wait_dma2 semaphore(%arg12 : memref<!tpu.dma_semaphore, #tpu.memory_space<semaphore_mem>>) src(%arg6 : memref<32x768xf32, #tpu.memory_space<vmem>>) dst(%dma_wait3A_198 : memref<32x768xf32, #tpu.memory_space<hbm>>)
    %dma_wait3A_199 = arith.constant 0 : i32
    %dma_wait3A_200 = tpu.memref_slice %arg4[%select_n3A, %add3A_173, %dma_wait3A_199] : memref<4x2048x768xf32, #tpu.memory_space<hbm>> -> memref<1x32x768xf32, #tpu.memory_space<hbm>>
    %dma_wait3A_201 = tpu.memref_squeeze %dma_wait3A_200 : memref<1x32x768xf32, #tpu.memory_space<hbm>> -> memref<32x768xf32, #tpu.memory_space<hbm>>
    %dma_wait3A_202 = arith.constant 0 : i32
    %dma_wait3A_203 = tpu.memref_slice %arg4[%select_n3A, %add3A_173, %dma_wait3A_202] : memref<4x2048x768xf32, #tpu.memory_space<hbm>> -> memref<1x32x768xf32, #tpu.memory_space<hbm>>
    %dma_wait3A_204 = tpu.memref_squeeze %dma_wait3A_203 : memref<1x32x768xf32, #tpu.memory_space<hbm>> -> memref<32x768xf32, #tpu.memory_space<hbm>>
    tpu.wait_dma2 semaphore(%arg12 : memref<!tpu.dma_semaphore, #tpu.memory_space<semaphore_mem>>) src(%arg7 : memref<32x768xf32, #tpu.memory_space<vmem>>) dst(%dma_wait3A_204 : memref<32x768xf32, #tpu.memory_space<hbm>>)
    %dma_wait3A_205 = arith.constant 0 : i32
    %dma_wait3A_206 = tpu.memref_slice %arg4[%select_n3A, %add3A_186, %dma_wait3A_205] : memref<4x2048x768xf32, #tpu.memory_space<hbm>> -> memref<1x32x768xf32, #tpu.memory_space<hbm>>
    %dma_wait3A_207 = tpu.memref_squeeze %dma_wait3A_206 : memref<1x32x768xf32, #tpu.memory_space<hbm>> -> memref<32x768xf32, #tpu.memory_space<hbm>>
    %dma_wait3A_208 = arith.constant 0 : i32
    %dma_wait3A_209 = tpu.memref_slice %arg4[%select_n3A, %add3A_186, %dma_wait3A_208] : memref<4x2048x768xf32, #tpu.memory_space<hbm>> -> memref<1x32x768xf32, #tpu.memory_space<hbm>>
    %dma_wait3A_210 = tpu.memref_squeeze %dma_wait3A_209 : memref<1x32x768xf32, #tpu.memory_space<hbm>> -> memref<32x768xf32, #tpu.memory_space<hbm>>
    tpu.wait_dma2 semaphore(%arg12 : memref<!tpu.dma_semaphore, #tpu.memory_space<semaphore_mem>>) src(%arg8 : memref<32x768xf32, #tpu.memory_space<vmem>>) dst(%dma_wait3A_210 : memref<32x768xf32, #tpu.memory_space<hbm>>)
    %dma_wait3A_211 = arith.constant 0 : i32
    %dma_wait3A_212 = tpu.memref_slice %arg4[%select_n3A, %add3A_101, %dma_wait3A_211] : memref<4x2048x768xf32, #tpu.memory_space<hbm>> -> memref<1x32x768xf32, #tpu.memory_space<hbm>>
    %dma_wait3A_213 = tpu.memref_squeeze %dma_wait3A_212 : memref<1x32x768xf32, #tpu.memory_space<hbm>> -> memref<32x768xf32, #tpu.memory_space<hbm>>
    %dma_wait3A_214 = arith.constant 0 : i32
    %dma_wait3A_215 = tpu.memref_slice %arg4[%select_n3A, %add3A_101, %dma_wait3A_214] : memref<4x2048x768xf32, #tpu.memory_space<hbm>> -> memref<1x32x768xf32, #tpu.memory_space<hbm>>
    %dma_wait3A_216 = tpu.memref_squeeze %dma_wait3A_215 : memref<1x32x768xf32, #tpu.memory_space<hbm>> -> memref<32x768xf32, #tpu.memory_space<hbm>>
    tpu.wait_dma2 semaphore(%arg12 : memref<!tpu.dma_semaphore, #tpu.memory_space<semaphore_mem>>) src(%arg9 : memref<32x768xf32, #tpu.memory_space<vmem>>) dst(%dma_wait3A_216 : memref<32x768xf32, #tpu.memory_space<hbm>>)
    %dma_wait3A_217 = arith.constant 0 : i32
    %dma_wait3A_218 = tpu.memref_slice %arg4[%select_n3A, %add3A_125, %dma_wait3A_217] : memref<4x2048x768xf32, #tpu.memory_space<hbm>> -> memref<1x32x768xf32, #tpu.memory_space<hbm>>
    %dma_wait3A_219 = tpu.memref_squeeze %dma_wait3A_218 : memref<1x32x768xf32, #tpu.memory_space<hbm>> -> memref<32x768xf32, #tpu.memory_space<hbm>>
    %dma_wait3A_220 = arith.constant 0 : i32
    %dma_wait3A_221 = tpu.memref_slice %arg4[%select_n3A, %add3A_125, %dma_wait3A_220] : memref<4x2048x768xf32, #tpu.memory_space<hbm>> -> memref<1x32x768xf32, #tpu.memory_space<hbm>>
    %dma_wait3A_222 = tpu.memref_squeeze %dma_wait3A_221 : memref<1x32x768xf32, #tpu.memory_space<hbm>> -> memref<32x768xf32, #tpu.memory_space<hbm>>
    tpu.wait_dma2 semaphore(%arg12 : memref<!tpu.dma_semaphore, #tpu.memory_space<semaphore_mem>>) src(%arg10 : memref<32x768xf32, #tpu.memory_space<vmem>>) dst(%dma_wait3A_222 : memref<32x768xf32, #tpu.memory_space<hbm>>)
    return
  }
}

</mosaic_0001>

<sc_bundles>
// kernel: kernel.3.cloned.1.call-start
scs
__scs_entry_jumppad:
0x0: {  	(pc) =	sbr.rel $0x88, $3  }
0x1: {  	(tag) =	ssettag $0x0;
	lr =	simm.s32 $0x1  }
0x2: {  	[smem:$0x3F9E] =	sst lr;
	_ =	strace $0xD0000000  }
0x3: {  	_ = 	snop  }
0x4: {  	_ = 	snop  }
0x5: {  	_ = 	snop  }
0x6: {  	_ = 	snop  }
0x7: {  	_ = 	snop  }
__scs_overlays_trampoline_lowered:
0x8: {  	[smem:$0x3FAD] =	sst s0  }
0x9: {  	[smem:$0x3FAE] =	sst s1  }
0xa: {  	[smem:$0x3FAF] =	sst s2  }
0xb: {  	[smem:$0x3FB0] =	sst s3  }
0xc: {  	[smem:$0x3FB1] =	sst s4  }
0xd: {  	[smem:$0x3FB2] =	sst s5  }
0xe: {  	[smem:$0x3FB3] =	sst s6  }
0xf: {  	[smem:$0x3FB4] =	sst s7  }
0x10: {  	[smem:$0x3FB5] =	sst s8  }
0x11: {  	[smem:$0x3FB6] =	sst s9;
	s0 =	simm.s32 @!p0 $0x0  }
0x12: {  	s1 =	sld [smem:$0x3F9C];
	s0 =	simm.s32 @p0 $0x1  }
0x13: {  	[smem:$0x3FB7] =	sst s0;
	s0 =	simm.s32 @!p1 $0x0  }
0x14: {  	s2 =	sld [smem:$0x3F9B];
	s0 =	simm.s32 @p1 $0x1  }
0x15: {  	[smem:$0x3FB8] =	sst s0;
	s0 =	simm.s32 @!p2 $0x0  }
0x16: {  	s3 =	sld [smem:$0x3FDB];
	s0 =	simm.s32 @p2 $0x1  }
0x17: {  	s4 =	simm.s32 $0x1BF5;
	[smem:$0x3FBA] =	sst s0  }
0x18: {  	s0 =	sld [smem:$0x3F9D];
	_ =	swait.ge [sflag:s4], $0x0  }
0x19: {  	s7 =	sld [smem:$0x3F9E]  }
0x1a: {  	s8 =	sadd.s32 $0xFFFFE003, lr  }
0x1b: {  	s9 =	sadd.s32 $0xFFFFFEF7, lr;
	s5 =	simm.s32 $0xFFFFFFFF;
	p2 =	slt.u32 s8, $0xFFFFF086  }
0x1c: {  	p1 =	slt.u32 s9, $0xF7A;
	s5 =	simm.s32 @!p2 $0x0  }
0x1d: {  	s5 =	simm.s32 @p1 $0x1;
	p0 =	seq.s32 s7, s2  }
0x1e: {  	s7 =	smul.u32 @!p0 $0xF7A, s2;
	p2 =	seq.s32 @!p0 s5, $0x0  }
0x1f: {  	s9 =	smul.u32 $0xF7A, s1;
	s8 =	simm.s32 @!p0 $0x1BF5;
	p2 =	por !p2, p0  }
0x20: {  	[sflag:s8] =	ssyncset.s32 @!p0 $0xFFFFF086;
	s6 =	sadd.s32 @!p0 s3, s7;
	s7 =	simm.s32 @!p0 $0x108  }
0x21: {  	s3 =	sadd.s32 s3, s9;
	s6 =	sadd.s32 @!p0 $0x88, s6;
	s7 =	simm.s32 @p2 $0x1082  }
0x22: {  	[simem:s7], [sflag:s8] =	dma.local @!p0 [hbm:s6], $0xF7A  }
0x23: {  	s9 =	sor.u32 $0xD0000000, s2;
	s6 =	simm.s32 $0x108;
	_ =	swait.ge @!p0 [sflag:s8], $0x0  }
0x24: {  	s3 =	sadd.s32 $0x88, s3;
	s6 =	simm.s32 @!p1 $0x1082;
	[sflag:s4] =	ssyncset.s32 $0xFFFFF086  }
0x25: {  	[simem:s6], [sflag:s4] =	dma.local [hbm:s3], $0xF7A  }
0x26: {  	[smem:$0x3F9E] =	sst s1;
	(tag) =	ssettag s2;
	_ =	strace s9  }
0x27: {  	s1 =	sld [smem:$0x3FAE]  }
0x28: {  	s2 =	sld [smem:$0x3FAF]  }
0x29: {  	s4 =	sld [smem:$0x3FB1]  }
0x2a: {  	p0 =	seq.s32 s5, $0x0;
	s5 =	sld [smem:$0x3FB2]  }
0x2b: {  	s6 =	sld [smem:$0x3FB3]  }
0x2c: {  	s7 =	sld [smem:$0x3FB4]  }
0x2d: {  	s3 =	simm.s32 $0x108;
	s8 =	sld [smem:$0x3FB5]  }
0x2e: {  	s3 =	simm.s32 @!p0 $0x1082;
	s9 =	sld [smem:$0x3FB6]  }
0x2f: {  	lr =	sadd.s32 s0, s3;
	s0 =	sld [smem:$0x3FAD]  }
0x30: {  	s3 =	sld [smem:$0x3FB0]  }
0x31: {  	[smem:$0x3FB9] =	sst s10  }
0x32: {  	s10 =	sld [smem:$0x3FB7];
	_ =	sdelay $0x3  }
0x33: {  	p0 =	seq.s32 s10, $0x1;
	s10 =	sld [smem:$0x3FB9];
	_ =	sdelay $0x3  }
0x34: {  	[smem:$0x3FB9] =	sst s10  }
0x35: {  	s10 =	sld [smem:$0x3FB8];
	_ =	sdelay $0x3  }
0x36: {  	p1 =	seq.s32 s10, $0x1;
	s10 =	sld [smem:$0x3FB9];
	_ =	sdelay $0x3  }
0x37: {  	[smem:$0x3FB9] =	sst s10  }
0x38: {  	s10 =	sld [smem:$0x3FBA]  }
0x39: {  	_ = 	snop;
	(pc) =	sbr.ind lr, $3  }
0x3a: {  	_ = 	snop  }
0x3b: {  	_ = 	snop  }
0x3c: {  	p2 =	seq.s32 s10, $0x1;
	s10 =	sld [smem:$0x3FB9]  }
0x3d: {  	_ =	shalt  }
0x3e: {  	_ =	shalt  }
0x3f: {  	_ =	shalt  }
0x40: {  	_ =	shalt  }
0x41: {  	_ =	shalt  }
0x42: {  	_ =	shalt  }
0x43: {  	_ =	shalt  }
0x44: {  	_ =	shalt  }
0x45: {  	_ =	shalt  }
0x46: {  	_ =	shalt  }
0x47: {  	_ =	shalt  }
0x48: {  	_ =	shalt  }
0x49: {  	_ =	shalt  }
0x4a: {  	_ =	shalt  }
0x4b: {  	_ =	shalt  }
0x4c: {  	_ =	shalt  }
0x4d: {  	_ =	shalt  }
0x4e: {  	_ =	shalt  }
0x4f: {  	_ =	shalt  }
0x50: {  	_ =	shalt  }
0x51: {  	_ =	shalt  }
0x52: {  	_ =	shalt  }
0x53: {  	_ =	shalt  }
0x54: {  	_ =	shalt  }
0x55: {  	_ =	shalt  }
0x56: {  	_ =	shalt  }
0x57: {  	_ =	shalt  }
0x58: {  	_ =	shalt  }
0x59: {  	_ =	shalt  }
0x5a: {  	_ =	shalt  }
0x5b: {  	_ =	shalt  }
0x5c: {  	_ =	shalt  }
0x5d: {  	_ =	shalt  }
0x5e: {  	_ =	shalt  }
0x5f: {  	_ =	shalt  }
0x60: {  	_ =	shalt  }
0x61: {  	_ =	shalt  }
0x62: {  	_ =	shalt  }
0x63: {  	_ =	shalt  }
0x64: {  	_ =	shalt  }
0x65: {  	_ =	shalt  }
0x66: {  	_ =	shalt  }
0x67: {  	_ =	shalt  }
0x68: {  	_ =	shalt  }
0x69: {  	_ =	shalt  }
0x6a: {  	_ =	shalt  }
0x6b: {  	_ =	shalt  }
0x6c: {  	_ =	shalt  }
0x6d: {  	_ =	shalt  }
0x6e: {  	_ =	shalt  }
0x6f: {  	_ =	shalt  }
0x70: {  	_ =	shalt  }
0x71: {  	_ =	shalt  }
0x72: {  	_ =	shalt  }
0x73: {  	_ =	shalt  }
0x74: {  	_ =	shalt  }
0x75: {  	_ =	shalt  }
0x76: {  	_ =	shalt  }
0x77: {  	_ =	shalt  }
0x78: {  	_ =	shalt  }
0x79: {  	_ =	shalt  }
0x7a: {  	_ =	shalt  }
0x7b: {  	_ =	shalt  }
0x7c: {  	_ =	shalt  }
0x7d: {  	_ =	shalt  }
0x7e: {  	_ =	shalt  }
0x7f: {  	_ =	shalt  }
0x80: {  	_ =	shalt  }
0x81: {  	_ =	shalt  }
0x82: {  	_ =	shalt  }
0x83: {  	_ =	shalt  }
0x84: {  	_ =	shalt  }
0x85: {  	_ =	shalt  }
0x86: {  	_ =	shalt  }
0x87: {  	_ =	shalt  }
.Lfunc_end0:
.L_simem_size_0:
called_computation_lowered:
.L_overlay_start_0:
0x88: {  	s2 =	sld [smem:$0x3FD9]  }
0x89: {  	s3 =	sld [smem:$0x3FFE];
	_ =	sdelay $0x1  }
0x8a: {  	s1 =	srdreg.scid  }
0x8b: {  	s0 =	sand.u32 $0x1, s1  }
0x8c: {  	s15 =	sshll.u32 s0, $0xA;
	s2 =	sadd.s32 s3, s2  }
0x8d: {  	s2 =	sadd.s32 s2, s15  }
0x8e: {  	[smem:$0x3FC5] =	sst s2  }
0x8f: {  	_ = 	snop  }
0x90: {  	s2 =	sld [smem:$0x3FD0];
	_ =	sdelay $0x1  }
0x91: {  	s16 =	sld [smem:$0x3FC9]  }
0x92: {  	s5 =	simm.s32 $0xA;
	s6 =	simm.s32 $0x10;
	s4 =	sld [smem:$0x3FC7]  }
0x93: {  	[smem:s6], [sflag:s5] =	dma.local [hbm:s2], $0x1  }
0x94: {  	_ =	swait.eq [sflag:s5], $0x1  }
0x95: {  	[sflag:s5] =	ssyncset.done $0x0  }
0x96: {  	[sflag:s5] =	ssyncadd.s32 $0xFFFFFFFF  }
0x97: {  	s17 =	sld [smem:$0x12];
	(tm) =	ssettm $0x1  }
0x98: {  	s18 =	sld [smem:$0x3FFB];
	_ =	sdelay $0x3  }
0x99: {  	_ =	strace s18  }
0x9a: {  	s5 =	sld [smem:$0x3FFC];
	_ =	sdelay $0x3  }
0x9b: {  	_ =	strace s5  }
0x9c: {  	s5 =	sld [smem:$0x3FFD];
	_ =	sdelay $0x3  }
0x9d: {  	_ =	strace s5  }
0x9e: {  	_ =	strace $0x8FFFFFFF  }
0x9f: {  	s19 =	sld [smem:$0x3FDB];
	_ =	sdelay $0x1  }
0xa0: {  	s20 =	simm.s32 $_scs_section_size  }
0xa1: {  	s7 =	simm.s32 $_size__tile_overlayer_lowered;
	s8 =	simm.s32 $_tile_overlayer_lowered  }
0xa2: {  	s23 =	simm.s32 $0x1BFF;
	s22 =	sshll.u32 s8, $0x1;
	s5 =	sadd.s32 s20, s19  }
0xa3: {  	s9 =	simm.s32 $0x0;
	s21 =	sshll.u32 s7, $0x1;
	s7 =	sadd.s32 s22, s5  }
0xa4: {  	[timem:s9], [sflag:s23] =	dma.local [hbm:s7], s21  }
0xa5: {  	_ =	swait.ge [sflag:s23], s21  }
0xa6: {  	s6 =	ssub.s32 $0x0, s21;
	[sflag:s23] =	ssyncset.done $0x0  }
0xa7: {  	[sflag:s23] =	ssyncadd.s32 s6;
	_ =	sdelay $0x1  }
0xa8: {  	s24 =	simm.s32 $0x1B8B  }
0xa9: {  	_ =	swait.ge [sflag:s24], $0x1  }
0xaa: {  	[sflag:s24] =	ssyncset.done $0x0  }
0xab: {  	s25 =	simm.s32 $0x1B8E;
	[sflag:s24] =	ssyncadd.s32 $0xFFFFFFFF  }
0xac: {  	s26 =	simm.s32 $execute0_lowered;
	[smem:$0x3FD2] =	sst s25  }
0xad: {  	s6 =	sshll.u32 s26, $0x1;
	_ =	strace $0x80000046;
	[dreg:$0x1] =	wrdreg $0xFFFFFFFF  }
0xae: {  	s28 =	simm.s32 $_size_execute0_lowered;
	s5 =	sadd.s32 s5, s6;
	[dreg:$0x0] =	wrdreg $0x0  }
0xaf: {  	s6 =	sshll.u32 s28, $0x1;
	[dreg:$0x2] =	wrdreg s5  }
0xb0: {  	[dreg:$0x3] =	wrdreg s6  }
0xb1: {  	[dreg:$0x4] =	wrdreg $0xC0  }
0xb2: {  	_ =	task [dreg:s9], $0x5FFFF  }
0xb3: {  	[dreg:$0x1] =	wrdreg $0xFFFFFFFF  }
0xb4: {  	[dreg:$0x0] =	wrdreg $0x60  }
0xb5: {  	[dreg:$0x2] =	wrdreg s16  }
0xb6: {  	[dreg:$0x3] =	wrdreg s4  }
0xb7: {  	[dreg:$0x4] =	wrdreg s17  }
0xb8: {  	[dreg:$0x5] =	wrdreg $0x9  }
0xb9: {  	_ =	task.clear_ibuf [dreg:s9], $0x6FFFF;
	_ =	strace $0x90000046  }
0xba: {  	s29 =	simm.s32 $0x9;
	_ =	strace $0x80000048  }
0xbb: {  	_ =	swait.ge [sflag:s29], $0x1  }
0xbc: {  	[sflag:s29] =	ssyncadd.s32 $0xFFFFFFFF  }
0xbd: {  	_ =	strace $0x90000048  }
0xbe: {  	_ =	sfence  }
0xbf: {  	s30 =	sld [smem:$0x0];
	_ =	sdelay $0x2  }
0xc0: {  	s31 =	sshll.u32 s1, $0xD;
	s1 =	sshrl.u32 s1, $0x2  }
0xc1: {  	s3 =	sand.u32 $0x4000, s31;
	s1 =	sadd.s32 s1, s30  }
0xc2: {  	s0 =	sor.u32 s3, s0;
	s1 =	sshll.u32 s1, $0x11  }
0xc3: {  	s0 =	sor.u32 s1, s0  }
0xc4: {  	s0 =	sadd.s32 $0x8F2B, s0  }
0xc5: {  	[sflag:s0] =	ssyncadd.remote.s32 $0x1  }
0xc6: {  	_ =	sfence.sel $0xFFFF  }
0xc7: {  	[dreg:$0x0] =	wrdreg $0xFFFFFFFF;
	(pc) =	sbr.abs _section_cstart, $3  }
0xc8: {  	[dreg:$0x1] =	wrdreg $0xFFFFFFFF  }
0xc9: {  	_ =	task.clear_ibuf [dreg:s9], $0x2FFFF;
	_ =	strace $0x9FFFFFFF  }
0xca: {  	(tm) =	ssettm $0x7FFFFFFF  }
0xcb: {  	_ =	shalt  }
tec
execute0_lowered:
.L_overlay_start_1:
0x0: {  	(tag) =	ssettag $0x1  }
0x1: {  	s4 =	stileid.u32  }
0x2: {  	s0 =	rddreg [dreg:$0x0];
	s1 =	srdreg.scid;
	s2 =	sshll.u32 s4, $0x1  }
0x3: {  	s7 =	rddreg [dreg:$0x2];
	s1 =	sand.u32 $0x1, s1;
	s3 =	sand.u32 $0x6, s2  }
0x4: {  	s2 =	rddreg [dreg:$0x1];
	s5 =	sor.u32 s1, s3;
	s3 =	simm.s32 $0x0  }
0x5: {  	s9 =	simm.s32 $0x13900;
	[smem:$0x7FF] =	sst s3  }
0x6: {  	s10 =	simm.s32 $0x14100;
	_ =	strace $0x80000047;
	[dreg:$0x10] =	wrdreg s9  }
0x7: {  	s11 =	simm.s32 $0x14900;
	s12 =	simm.s32 $0x15100;
	[dreg:$0x11] =	wrdreg s10  }
0x8: {  	s13 =	simm.s32 $0x15900;
	s14 =	simm.s32 $0x16100;
	[dreg:$0x12] =	wrdreg s11  }
0x9: {  	s15 =	simm.s32 $0x16900;
	s16 =	simm.s32 $0x17100;
	[dreg:$0x13] =	wrdreg s12  }
0xa: {  	s17 =	simm.s32 $0x17900;
	s18 =	simm.s32 $0x18900;
	[dreg:$0x14] =	wrdreg s13  }
0xb: {  	s19 =	simm.s32 $0x19100;
	s20 =	simm.s32 $0x19900;
	[dreg:$0x15] =	wrdreg s14  }
0xc: {  	s30 =	simm.s32 $0x1100;
	s4 =	sshrl.u32 s4, $0x2;
	[dreg:$0x16] =	wrdreg s15  }
0xd: {  	s6 =	smul.u32 $0x180000, s4;
	s4 =	sshll.u32 s4, $0x4;
	[dreg:$0x17] =	wrdreg s16  }
0xe: {  	s31 =	simm.s32 $0x1900;
	s0 =	sadd.s32 s0, s4;
	[dreg:$0x18] =	wrdreg s17  }
0xf: {  	s8 =	smul.u32 $0x30000, s5;
	s5 =	sshll.u32 s5, $0x7;
	[dreg:$0x19] =	wrdreg s18  }
0x10: {  	s1 =	ssub.s32 $0x2, s1;
	s0 =	sadd.s32 s5, s0;
	[dreg:$0x1a] =	wrdreg s19  }
0x11: {  	s5 =	simm.s32 $0x200;
	[dreg:$0x1b] =	wrdreg s20;
	s9 =	simm.s32 $0x2100  }
0x12: {  	s17 =	simm.s32 $0x2900;
	s6 =	sadd.s32 s6, s8;
	[dreg:$0x4] =	wrdreg s0  }
0x13: {  	[dreg:$0xd] =	wrdreg s5;
	s21 =	sshrl.u32 s6, $0x3;
	s6 =	simm.s32 $0x12900  }
0x14: {  	s11 =	simm.s32 $0x3100;
	s4 =	sadd.s32 s7, s21;
	[dreg:$0xe] =	wrdreg s6  }
0x15: {  	s12 =	simm.s32 $0x3900;
	s7 =	simm.s32 $0x13100;
	[smem:$0x7F9] =	sst s4  }
0x16: {  	s13 =	simm.s32 $0x4100;
	s21 =	simm.s32 $0x1A100;
	[dreg:$0xf] =	wrdreg s7  }
0x17: {  	s14 =	simm.s32 $0x4900;
	s22 =	sadd.s32 $0xC00, s4;
	[dreg:$0x1c] =	wrdreg s21  }
0x18: {  	s15 =	simm.s32 $0x5100;
	s23 =	sadd.s32 $0x1800, s4;
	[dreg:$0x5] =	wrdreg s22  }
0x19: {  	s16 =	simm.s32 $0x5900;
	s24 =	sadd.s32 $0x2400, s4;
	[dreg:$0x6] =	wrdreg s23  }
0x1a: {  	s10 =	simm.s32 $0x6100;
	s25 =	sadd.s32 $0x3000, s4;
	[dreg:$0x7] =	wrdreg s24  }
0x1b: {  	s18 =	simm.s32 $0x7100;
	s26 =	sadd.s32 $0x3C00, s4;
	[dreg:$0x8] =	wrdreg s25  }
0x1c: {  	s19 =	simm.s32 $0x7900;
	s28 =	sadd.s32 $0x4800, s4;
	[dreg:$0x9] =	wrdreg s26  }
0x1d: {  	s20 =	simm.s32 $0x8100;
	s29 =	sadd.s32 $0x5400, s4;
	[dreg:$0xa] =	wrdreg s28  }
0x1e: {  	s8 =	sshrl.u32 s1, $0x1;
	s4 =	simm.s32 $0x80;
	[dreg:$0xb] =	wrdreg s29  }
0x1f: {  	s5 =	sadd.s32 $0x100, s2;
	[dreg:$0xc] =	wrdreg s4;
	s22 =	simm.s32 $0x1A900  }
0x20: {  	s1 =	ssub.s32 s1, s8;
	s23 =	simm.s32 $0x1B100;
	[dreg:$0x1d] =	wrdreg s22  }
0x21: {  	s8 =	simm.s32 $0xC100;
	s24 =	simm.s32 $0x1B900;
	[dreg:$0x1e] =	wrdreg s23  }
0x22: {  	s6 =	sadd.s32 $0x200, s2;
	s25 =	simm.s32 $0x1C100;
	[dreg:$0x1f] =	wrdreg s24  }
0x23: {  	s7 =	smax.u32 s1, $0x1;
	s26 =	simm.s32 $0x1C900;
	[smem:$0x7FA] =	sst s25  }
0x24: {  	s21 =	simm.s32 $0x100;
	s28 =	simm.s32 $0x1D100;
	[smem:$0x7FB] =	sst s26  }
0x25: {  	v2 =	vlaneseq.u32;
	s1 =	simm.s32 $0x12100;
	s29 =	simm.s32 $0x1D900;
	[smem:$0x7FC] =	sst s28  }
0x26: {  	vm0 =	vmmov $0xffff;
	v1 =	vshrl.u32 v2, $0x3;
	[smem:$0x7FD] =	sst s29;
	s25 =	simm.s32 $0x1;
	s26 =	simm.s32 $0x2  }
0x27: {  	v0 =	vand.u32 $0x7, v2;
	v2 =	vor.u32 $0x8, v2;
	v1 =	vmul.u32 $0x8, v1;
	s22 =	simm.s32 $0x8900;
	s23 =	simm.s32 $0x9100;
	s24 =	simm.s32 $0x9900  }
.LBB2_1:
0x28: {  	s28 =	rddreg [dreg:$0x4]  }
0x29: {  	s4 =	rddreg [dreg:$0xc]  }
0x2a: {  	s29 =	rddreg [dreg:$0xd];
	s0 =	simm.s32 $0x3  }
0x2b: {  	[tilespmem:s3], [sflag:$0x3] =	stream.strided.gather [hbm4b:s28+s4], $0x100, s29, s4, $0x38;
	[tilespmem:$0x1E100] =	vst v63  }
0x2c: {  	_ =	swait.ge [sflag:s0], $0x100  }
0x2d: {  	[sflag:s0] =	ssyncset.done $0x0  }
0x2e: {  	[sflag:s0] =	ssyncadd.s32 $0xFFFFFF00  }
0x2f: {  	v3 =	vld [tilespmem:$0x0];
	_ =	sdelay $0x4  }
0x30: {  	v4 =	vshrl.u32 v3, $0x3  }
0x31: {  	v4 =	vmul.u32 $0x30, v4  }
0x32: {  	v3 =	vand.u32 $0x7, v3  }
0x33: {  	v3 =	vor.u32 v3, v4  }
0x34: {  	v4 =	vperm.xlane v3, v0;
	_ =	sdelay $0x1  }
0x35: {  	v4 =	vadd.s32 v1, v4;
	_ =	sdelay $0x3  }
0x36: {  	v3 =	vperm.xlane v3, v2  }
0x37: {  	[tilespmem:s21], [sflag:$0x1] =	stream.indirect_vreg.gather [hbm4b:s2+s3], $0x80, v4, vm0, $0xb8;
	[tilespmem:$0x1E100] =	vst v63  }
0x38: {  	s29 =	simm.s32 $0x900;
	v3 =	vadd.s32 v1, v3  }
0x39: {  	[tilespmem:s29], [sflag:$0x1] =	stream.indirect_vreg.gather [hbm4b:s5+s3], $0x80, v4, vm0, $0xb8;
	[tilespmem:$0x1E100] =	vst v63  }
0x3a: {  	_ = 	snop  }
0x3b: {  	[tilespmem:s30], [sflag:$0x1] =	stream.indirect_vreg.gather [hbm4b:s6+s3], $0x80, v4, vm0, $0xb8;
	[tilespmem:$0x1E100] =	vst v63  }
0x3c: {  	_ = 	snop  }
0x3d: {  	[tilespmem:s31], [sflag:$0x1] =	stream.indirect_vreg.gather [hbm4b:s2+s3], $0x80, v3, vm0, $0xb8;
	[tilespmem:$0x1E100] =	vst v63  }
0x3e: {  	_ = 	snop  }
0x3f: {  	[tilespmem:s9], [sflag:$0x1] =	stream.indirect_vreg.gather [hbm4b:s5+s3], $0x80, v3, vm0, $0xb8;
	[tilespmem:$0x1E100] =	vst v63  }
0x40: {  	_ = 	snop  }
0x41: {  	[tilespmem:s17], [sflag:$0x1] =	stream.indirect_vreg.gather [hbm4b:s6+s3], $0x80, v3, vm0, $0xb8;
	[tilespmem:$0x1E100] =	vst v63  }
0x42: {  	v3 =	vld [tilespmem:$0x10];
	_ =	sdelay $0x4  }
0x43: {  	v49 =	vshrl.u32 v3, $0x3  }
0x44: {  	v4 =	vmul.u32 $0x30, v49  }
0x45: {  	v3 =	vand.u32 $0x7, v3  }
0x46: {  	v3 =	vor.u32 v3, v4  }
0x47: {  	v4 =	vperm.xlane v3, v0;
	_ =	sdelay $0x1  }
0x48: {  	v4 =	vadd.s32 v1, v4;
	_ =	sdelay $0x3  }
0x49: {  	v3 =	vperm.xlane v3, v2  }
0x4a: {  	[tilespmem:s11], [sflag:$0x1] =	stream.indirect_vreg.gather [hbm4b:s2+s3], $0x80, v4, vm0, $0xb8;
	[tilespmem:$0x1E100] =	vst v63  }
0x4b: {  	v3 =	vadd.s32 v1, v3  }
0x4c: {  	[tilespmem:s12], [sflag:$0x1] =	stream.indirect_vreg.gather [hbm4b:s5+s3], $0x80, v4, vm0, $0xb8;
	[tilespmem:$0x1E100] =	vst v63  }
0x4d: {  	_ = 	snop  }
0x4e: {  	[tilespmem:s13], [sflag:$0x1] =	stream.indirect_vreg.gather [hbm4b:s6+s3], $0x80, v4, vm0, $0xb8;
	[tilespmem:$0x1E100] =	vst v63  }
0x4f: {  	_ = 	snop  }
0x50: {  	[tilespmem:s14], [sflag:$0x1] =	stream.indirect_vreg.gather [hbm4b:s2+s3], $0x80, v3, vm0, $0xb8;
	[tilespmem:$0x1E100] =	vst v63  }
0x51: {  	_ = 	snop  }
0x52: {  	[tilespmem:s15], [sflag:$0x1] =	stream.indirect_vreg.gather [hbm4b:s5+s3], $0x80, v3, vm0, $0xb8;
	[tilespmem:$0x1E100] =	vst v63  }
0x53: {  	_ = 	snop  }
0x54: {  	[tilespmem:s16], [sflag:$0x1] =	stream.indirect_vreg.gather [hbm4b:s6+s3], $0x80, v3, vm0, $0xb8;
	[tilespmem:$0x1E100] =	vst v63  }
0x55: {  	v3 =	vld [tilespmem:$0x20];
	_ =	sdelay $0x4  }
0x56: {  	v50 =	vshrl.u32 v3, $0x3  }
0x57: {  	v4 =	vmul.u32 $0x30, v50  }
0x58: {  	v3 =	vand.u32 $0x7, v3  }
0x59: {  	v3 =	vor.u32 v3, v4  }
0x5a: {  	v4 =	vperm.xlane v3, v0;
	_ =	sdelay $0x1  }
0x5b: {  	v4 =	vadd.s32 v1, v4;
	_ =	sdelay $0x3  }
0x5c: {  	v3 =	vperm.xlane v3, v2  }
0x5d: {  	[tilespmem:s10], [sflag:$0x1] =	stream.indirect_vreg.gather [hbm4b:s2+s3], $0x80, v4, vm0, $0xb8;
	[tilespmem:$0x1E100] =	vst v63  }
0x5e: {  	s4 =	simm.s32 $0x6900;
	v3 =	vadd.s32 v1, v3  }
0x5f: {  	[tilespmem:s4], [sflag:$0x1] =	stream.indirect_vreg.gather [hbm4b:s5+s3], $0x80, v4, vm0, $0xb8;
	[tilespmem:$0x1E100] =	vst v63  }
0x60: {  	_ = 	snop  }
0x61: {  	[tilespmem:s18], [sflag:$0x1] =	stream.indirect_vreg.gather [hbm4b:s6+s3], $0x80, v4, vm0, $0xb8;
	[tilespmem:$0x1E100] =	vst v63  }
0x62: {  	_ = 	snop  }
0x63: {  	[tilespmem:s19], [sflag:$0x1] =	stream.indirect_vreg.gather [hbm4b:s2+s3], $0x80, v3, vm0, $0xb8;
	[tilespmem:$0x1E100] =	vst v63  }
0x64: {  	_ = 	snop  }
0x65: {  	[tilespmem:s20], [sflag:$0x1] =	stream.indirect_vreg.gather [hbm4b:s5+s3], $0x80, v3, vm0, $0xb8;
	[tilespmem:$0x1E100] =	vst v63  }
0x66: {  	_ = 	snop  }
0x67: {  	[tilespmem:s22], [sflag:$0x1] =	stream.indirect_vreg.gather [hbm4b:s6+s3], $0x80, v3, vm0, $0xb8;
	[tilespmem:$0x1E100] =	vst v63  }
0x68: {  	v3 =	vld [tilespmem:$0x30];
	_ =	sdelay $0x4  }
0x69: {  	v51 =	vshrl.u32 v3, $0x3  }
0x6a: {  	v4 =	vmul.u32 $0x30, v51  }
0x6b: {  	v3 =	vand.u32 $0x7, v3  }
0x6c: {  	v3 =	vor.u32 v3, v4  }
0x6d: {  	v4 =	vperm.xlane v3, v0;
	_ =	sdelay $0x1  }
0x6e: {  	v4 =	vadd.s32 v1, v4;
	_ =	sdelay $0x3  }
0x6f: {  	v3 =	vperm.xlane v3, v2  }
0x70: {  	[tilespmem:s23], [sflag:$0x1] =	stream.indirect_vreg.gather [hbm4b:s2+s3], $0x80, v4, vm0, $0xb8;
	[tilespmem:$0x1E100] =	vst v63  }
0x71: {  	v3 =	vadd.s32 v1, v3  }
0x72: {  	[tilespmem:s24], [sflag:$0x1] =	stream.indirect_vreg.gather [hbm4b:s5+s3], $0x80, v4, vm0, $0xb8;
	[tilespmem:$0x1E100] =	vst v63  }
0x73: {  	s28 =	simm.s32 $0xA100  }
0x74: {  	[tilespmem:s28], [sflag:$0x1] =	stream.indirect_vreg.gather [hbm4b:s6+s3], $0x80, v4, vm0, $0xb8;
	[tilespmem:$0x1E100] =	vst v63  }
0x75: {  	s4 =	simm.s32 $0xA900  }
0x76: {  	[tilespmem:s4], [sflag:$0x1] =	stream.indirect_vreg.gather [hbm4b:s2+s3], $0x80, v3, vm0, $0xb8;
	[tilespmem:$0x1E100] =	vst v63  }
0x77: {  	s28 =	simm.s32 $0xB100  }
0x78: {  	[tilespmem:s28], [sflag:$0x1] =	stream.indirect_vreg.gather [hbm4b:s5+s3], $0x80, v3, vm0, $0xb8;
	[tilespmem:$0x1E100] =	vst v63  }
0x79: {  	s4 =	simm.s32 $0xB900  }
0x7a: {  	[tilespmem:s4], [sflag:$0x1] =	stream.indirect_vreg.gather [hbm4b:s6+s3], $0x80, v3, vm0, $0xb8;
	[tilespmem:$0x1E100] =	vst v63  }
0x7b: {  	v3 =	vld [tilespmem:$0x40];
	_ =	sdelay $0x4  }
0x7c: {  	v52 =	vshrl.u32 v3, $0x3  }
0x7d: {  	v4 =	vmul.u32 $0x30, v52  }
0x7e: {  	v3 =	vand.u32 $0x7, v3  }
0x7f: {  	v3 =	vor.u32 v3, v4  }
0x80: {  	v4 =	vperm.xlane v3, v0;
	_ =	sdelay $0x1  }
0x81: {  	v4 =	vadd.s32 v1, v4;
	_ =	sdelay $0x3  }
0x82: {  	v3 =	vperm.xlane v3, v2  }
0x83: {  	[tilespmem:s8], [sflag:$0x1] =	stream.indirect_vreg.gather [hbm4b:s2+s3], $0x80, v4, vm0, $0xb8;
	[tilespmem:$0x1E100] =	vst v63  }
0x84: {  	s28 =	simm.s32 $0xC900;
	v3 =	vadd.s32 v1, v3  }
0x85: {  	[tilespmem:s28], [sflag:$0x1] =	stream.indirect_vreg.gather [hbm4b:s5+s3], $0x80, v4, vm0, $0xb8;
	[tilespmem:$0x1E100] =	vst v63  }
0x86: {  	s4 =	simm.s32 $0xD100  }
0x87: {  	[tilespmem:s4], [sflag:$0x1] =	stream.indirect_vreg.gather [hbm4b:s6+s3], $0x80, v4, vm0, $0xb8;
	[tilespmem:$0x1E100] =	vst v63  }
0x88: {  	s28 =	simm.s32 $0xD900  }
0x89: {  	[tilespmem:s28], [sflag:$0x1] =	stream.indirect_vreg.gather [hbm4b:s2+s3], $0x80, v3, vm0, $0xb8;
	[tilespmem:$0x1E100] =	vst v63  }
0x8a: {  	s4 =	simm.s32 $0xE100  }
0x8b: {  	[tilespmem:s4], [sflag:$0x1] =	stream.indirect_vreg.gather [hbm4b:s5+s3], $0x80, v3, vm0, $0xb8;
	[tilespmem:$0x1E100] =	vst v63  }
0x8c: {  	s28 =	simm.s32 $0xE900  }
0x8d: {  	[tilespmem:s28], [sflag:$0x1] =	stream.indirect_vreg.gather [hbm4b:s6+s3], $0x80, v3, vm0, $0xb8;
	[tilespmem:$0x1E100] =	vst v63  }
0x8e: {  	v3 =	vld [tilespmem:$0x50];
	_ =	sdelay $0x4  }
0x8f: {  	v53 =	vshrl.u32 v3, $0x3  }
0x90: {  	v4 =	vmul.u32 $0x30, v53  }
0x91: {  	v3 =	vand.u32 $0x7, v3  }
0x92: {  	v3 =	vor.u32 v3, v4  }
0x93: {  	v4 =	vperm.xlane v3, v0;
	_ =	sdelay $0x1  }
0x94: {  	v4 =	vadd.s32 v1, v4;
	_ =	sdelay $0x3  }
0x95: {  	s4 =	simm.s32 $0xF100;
	v3 =	vperm.xlane v3, v2  }
0x96: {  	[tilespmem:s4], [sflag:$0x1] =	stream.indirect_vreg.gather [hbm4b:s2+s3], $0x80, v4, vm0, $0xb8;
	[tilespmem:$0x1E100] =	vst v63  }
0x97: {  	s28 =	simm.s32 $0xF900;
	v3 =	vadd.s32 v1, v3  }
0x98: {  	[tilespmem:s28], [sflag:$0x1] =	stream.indirect_vreg.gather [hbm4b:s5+s3], $0x80, v4, vm0, $0xb8;
	[tilespmem:$0x1E100] =	vst v63  }
0x99: {  	s4 =	simm.s32 $0x10100  }
0x9a: {  	[tilespmem:s4], [sflag:$0x1] =	stream.indirect_vreg.gather [hbm4b:s6+s3], $0x80, v4, vm0, $0xb8;
	[tilespmem:$0x1E100] =	vst v63  }
0x9b: {  	s28 =	simm.s32 $0x10900  }
0x9c: {  	[tilespmem:s28], [sflag:$0x1] =	stream.indirect_vreg.gather [hbm4b:s2+s3], $0x80, v3, vm0, $0xb8;
	[tilespmem:$0x1E100] =	vst v63  }
0x9d: {  	s4 =	simm.s32 $0x11100  }
0x9e: {  	[tilespmem:s4], [sflag:$0x1] =	stream.indirect_vreg.gather [hbm4b:s5+s3], $0x80, v3, vm0, $0xb8;
	[tilespmem:$0x1E100] =	vst v63  }
0x9f: {  	s28 =	simm.s32 $0x11900  }
0xa0: {  	[tilespmem:s28], [sflag:$0x1] =	stream.indirect_vreg.gather [hbm4b:s6+s3], $0x80, v3, vm0, $0xb8;
	[tilespmem:$0x1E100] =	vst v63  }
0xa1: {  	v3 =	vld [tilespmem:$0x60];
	_ =	sdelay $0x4  }
0xa2: {  	v54 =	vshrl.u32 v3, $0x3  }
0xa3: {  	v4 =	vmul.u32 $0x30, v54  }
0xa4: {  	v3 =	vand.u32 $0x7, v3  }
0xa5: {  	v3 =	vor.u32 v3, v4  }
0xa6: {  	v4 =	vperm.xlane v3, v0;
	_ =	sdelay $0x1  }
0xa7: {  	v4 =	vadd.s32 v1, v4;
	_ =	sdelay $0x3  }
0xa8: {  	v3 =	vperm.xlane v3, v2  }
0xa9: {  	[tilespmem:s1], [sflag:$0x1] =	stream.indirect_vreg.gather [hbm4b:s2+s3], $0x80, v4, vm0, $0xb8;
	[tilespmem:$0x1E100] =	vst v63  }
0xaa: {  	s0 =	rddreg [dreg:$0xe];
	v3 =	vadd.s32 v1, v3  }
0xab: {  	[tilespmem:s0], [sflag:$0x1] =	stream.indirect_vreg.gather [hbm4b:s5+s3], $0x80, v4, vm0, $0xb8;
	[tilespmem:$0x1E100] =	vst v63  }
0xac: {  	s28 =	rddreg [dreg:$0xf]  }
0xad: {  	[tilespmem:s28], [sflag:$0x1] =	stream.indirect_vreg.gather [hbm4b:s6+s3], $0x80, v4, vm0, $0xb8;
	[tilespmem:$0x1E100] =	vst v63  }
0xae: {  	s0 =	rddreg [dreg:$0x10]  }
0xaf: {  	[tilespmem:s0], [sflag:$0x1] =	stream.indirect_vreg.gather [hbm4b:s2+s3], $0x80, v3, vm0, $0xb8;
	[tilespmem:$0x1E100] =	vst v63  }
0xb0: {  	s28 =	rddreg [dreg:$0x11]  }
0xb1: {  	[tilespmem:s28], [sflag:$0x1] =	stream.indirect_vreg.gather [hbm4b:s5+s3], $0x80, v3, vm0, $0xb8;
	[tilespmem:$0x1E100] =	vst v63  }
0xb2: {  	s0 =	rddreg [dreg:$0x12]  }
0xb3: {  	[tilespmem:s0], [sflag:$0x1] =	stream.indirect_vreg.gather [hbm4b:s6+s3], $0x80, v3, vm0, $0xb8;
	[tilespmem:$0x1E100] =	vst v63  }
0xb4: {  	v3 =	vld [tilespmem:$0x70];
	_ =	sdelay $0x4  }
0xb5: {  	v55 =	vshrl.u32 v3, $0x3  }
0xb6: {  	v4 =	vmul.u32 $0x30, v55  }
0xb7: {  	v3 =	vand.u32 $0x7, v3  }
0xb8: {  	v3 =	vor.u32 v3, v4  }
0xb9: {  	v4 =	vperm.xlane v3, v0;
	_ =	sdelay $0x1  }
0xba: {  	v4 =	vadd.s32 v1, v4;
	_ =	sdelay $0x3  }
0xbb: {  	s4 =	rddreg [dreg:$0x13];
	v3 =	vperm.xlane v3, v2  }
0xbc: {  	[tilespmem:s4], [sflag:$0x1] =	stream.indirect_vreg.gather [hbm4b:s2+s3], $0x80, v4, vm0, $0xb8;
	[tilespmem:$0x1E100] =	vst v63  }
0xbd: {  	s0 =	rddreg [dreg:$0x14];
	v3 =	vadd.s32 v1, v3  }
0xbe: {  	[tilespmem:s0], [sflag:$0x1] =	stream.indirect_vreg.gather [hbm4b:s5+s3], $0x80, v4, vm0, $0xb8;
	[tilespmem:$0x1E100] =	vst v63  }
0xbf: {  	s4 =	rddreg [dreg:$0x15]  }
0xc0: {  	[tilespmem:s4], [sflag:$0x1] =	stream.indirect_vreg.gather [hbm4b:s6+s3], $0x80, v4, vm0, $0xb8;
	[tilespmem:$0x1E100] =	vst v63  }
0xc1: {  	s0 =	rddreg [dreg:$0x16]  }
0xc2: {  	[tilespmem:s0], [sflag:$0x1] =	stream.indirect_vreg.gather [hbm4b:s2+s3], $0x80, v3, vm0, $0xb8;
	[tilespmem:$0x1E100] =	vst v63  }
0xc3: {  	s4 =	rddreg [dreg:$0x17]  }
0xc4: {  	[tilespmem:s4], [sflag:$0x1] =	stream.indirect_vreg.gather [hbm4b:s5+s3], $0x80, v3, vm0, $0xb8;
	[tilespmem:$0x1E100] =	vst v63  }
0xc5: {  	s0 =	rddreg [dreg:$0x18]  }
0xc6: {  	[tilespmem:s0], [sflag:$0x1] =	stream.indirect_vreg.gather [hbm4b:s6+s3], $0x80, v3, vm0, $0xb8;
	[tilespmem:$0x1E100] =	vst v63  }
0xc7: {  	v3 =	vld [tilespmem:$0x80];
	_ =	sdelay $0x4  }
0xc8: {  	v56 =	vshrl.u32 v3, $0x3  }
0xc9: {  	v4 =	vmul.u32 $0x30, v56  }
0xca: {  	v3 =	vand.u32 $0x7, v3  }
0xcb: {  	v3 =	vor.u32 v3, v4  }
0xcc: {  	v4 =	vperm.xlane v3, v0;
	_ =	sdelay $0x1  }
0xcd: {  	v4 =	vadd.s32 v1, v4;
	_ =	sdelay $0x3  }
0xce: {  	s0 =	simm.s32 $0x18100;
	v3 =	vperm.xlane v3, v2  }
0xcf: {  	[tilespmem:s0], [sflag:$0x1] =	stream.indirect_vreg.gather [hbm4b:s2+s3], $0x80, v4, vm0, $0xb8;
	[tilespmem:$0x1E100] =	vst v63  }
0xd0: {  	s4 =	rddreg [dreg:$0x19];
	v3 =	vadd.s32 v1, v3  }
0xd1: {  	[tilespmem:s4], [sflag:$0x1] =	stream.indirect_vreg.gather [hbm4b:s5+s3], $0x80, v4, vm0, $0xb8;
	[tilespmem:$0x1E100] =	vst v63  }
0xd2: {  	s28 =	rddreg [dreg:$0x1a]  }
0xd3: {  	[tilespmem:s28], [sflag:$0x1] =	stream.indirect_vreg.gather [hbm4b:s6+s3], $0x80, v4, vm0, $0xb8;
	[tilespmem:$0x1E100] =	vst v63  }
0xd4: {  	s4 =	rddreg [dreg:$0x1b]  }
0xd5: {  	[tilespmem:s4], [sflag:$0x1] =	stream.indirect_vreg.gather [hbm4b:s2+s3], $0x80, v3, vm0, $0xb8;
	[tilespmem:$0x1E100] =	vst v63  }
0xd6: {  	s28 =	rddreg [dreg:$0x1c]  }
0xd7: {  	[tilespmem:s28], [sflag:$0x1] =	stream.indirect_vreg.gather [hbm4b:s5+s3], $0x80, v3, vm0, $0xb8;
	[tilespmem:$0x1E100] =	vst v63  }
0xd8: {  	s4 =	rddreg [dreg:$0x1d]  }
0xd9: {  	[tilespmem:s4], [sflag:$0x1] =	stream.indirect_vreg.gather [hbm4b:s6+s3], $0x80, v3, vm0, $0xb8;
	[tilespmem:$0x1E100] =	vst v63  }
0xda: {  	v3 =	vld [tilespmem:$0x90];
	_ =	sdelay $0x4  }
0xdb: {  	v57 =	vshrl.u32 v3, $0x3  }
0xdc: {  	v4 =	vmul.u32 $0x30, v57  }
0xdd: {  	v3 =	vand.u32 $0x7, v3  }
0xde: {  	v3 =	vor.u32 v3, v4  }
0xdf: {  	v4 =	vperm.xlane v3, v0;
	_ =	sdelay $0x1  }
0xe0: {  	v4 =	vadd.s32 v1, v4;
	_ =	sdelay $0x2  }
0xe1: {  	s28 =	rddreg [dreg:$0x1f]  }
0xe2: {  	s4 =	rddreg [dreg:$0x1e];
	v3 =	vperm.xlane v3, v2  }
0xe3: {  	[tilespmem:s4], [sflag:$0x1] =	stream.indirect_vreg.gather [hbm4b:s2+s3], $0x80, v4, vm0, $0xb8;
	[tilespmem:$0x1E100] =	vst v63  }
0xe4: {  	v3 =	vadd.s32 v1, v3;
	s4 =	sld [smem:$0x7FA]  }
0xe5: {  	[tilespmem:s28], [sflag:$0x1] =	stream.indirect_vreg.gather [hbm4b:s5+s3], $0x80, v4, vm0, $0xb8;
	[tilespmem:$0x1E100] =	vst v63  }
0xe6: {  	s28 =	sld [smem:$0x7FB]  }
0xe7: {  	[tilespmem:s4], [sflag:$0x1] =	stream.indirect_vreg.gather [hbm4b:s6+s3], $0x80, v4, vm0, $0xb8;
	[tilespmem:$0x1E100] =	vst v63  }
0xe8: {  	s4 =	sld [smem:$0x7FC]  }
0xe9: {  	[tilespmem:s28], [sflag:$0x1] =	stream.indirect_vreg.gather [hbm4b:s2+s3], $0x80, v3, vm0, $0xb8;
	[tilespmem:$0x1E100] =	vst v63  }
0xea: {  	s28 =	sld [smem:$0x7FD]  }
0xeb: {  	[tilespmem:s4], [sflag:$0x1] =	stream.indirect_vreg.gather [hbm4b:s5+s3], $0x80, v3, vm0, $0xb8;
	[tilespmem:$0x1E100] =	vst v63  }
0xec: {  	_ = 	snop  }
0xed: {  	[tilespmem:s28], [sflag:$0x1] =	stream.indirect_vreg.gather [hbm4b:s6+s3], $0x80, v3, vm0, $0xb8;
	[tilespmem:$0x1E100] =	vst v63  }
0xee: {  	_ =	swait.ge [sflag:s25], $0x6000  }
0xef: {  	s28 =	sld [smem:$0x7F9]  }
0xf0: {  	[sflag:s25] =	ssyncset.done $0x0  }
0xf1: {  	[sflag:s25] =	ssyncadd.s32 $0xFFFFA000  }
0xf2: {  	[hbm4b:s28+s3] =	stream.linear.scatter [tilespmem:s21], [sflag:$0x2], $0x6000, $0x38;
	[tilespmem:$0x1E100] =	vst v63  }
0xf3: {  	_ =	swait.ge [sflag:s25], $0x6000  }
0xf4: {  	[sflag:s25] =	ssyncset.done $0x0  }
0xf5: {  	s28 =	rddreg [dreg:$0x5];
	[sflag:s25] =	ssyncadd.s32 $0xFFFFA000  }
0xf6: {  	[hbm4b:s28+s3] =	stream.linear.scatter [tilespmem:s10], [sflag:$0x2], $0x6000, $0x38;
	[tilespmem:$0x1E100] =	vst v63  }
0xf7: {  	_ =	swait.ge [sflag:s25], $0x6000  }
0xf8: {  	[sflag:s25] =	ssyncset.done $0x0  }
0xf9: {  	s28 =	rddreg [dreg:$0x6];
	[sflag:s25] =	ssyncadd.s32 $0xFFFFA000  }
0xfa: {  	[hbm4b:s28+s3] =	stream.linear.scatter [tilespmem:s8], [sflag:$0x2], $0x6000, $0x38;
	[tilespmem:$0x1E100] =	vst v63  }
0xfb: {  	_ =	swait.ge [sflag:s25], $0x6000  }
0xfc: {  	[sflag:s25] =	ssyncset.done $0x0  }
0xfd: {  	s28 =	rddreg [dreg:$0x7];
	[sflag:s25] =	ssyncadd.s32 $0xFFFFA000  }
0xfe: {  	[hbm4b:s28+s3] =	stream.linear.scatter [tilespmem:s1], [sflag:$0x2], $0x6000, $0x38;
	[tilespmem:$0x1E100] =	vst v63  }
0xff: {  	_ =	swait.ge [sflag:s26], $0x6000  }
0x100: {  	[sflag:s26] =	ssyncset.done $0x0  }
0x101: {  	[sflag:s26] =	ssyncadd.s32 $0xFFFFA000  }
0x102: {  	v3 =	vld [tilespmem:$0xA0];
	_ =	sdelay $0x4  }
0x103: {  	v58 =	vshrl.u32 v3, $0x3  }
0x104: {  	v4 =	vmul.u32 $0x30, v58  }
0x105: {  	v3 =	vand.u32 $0x7, v3  }
0x106: {  	v3 =	vor.u32 v3, v4  }
0x107: {  	v4 =	vperm.xlane v3, v0;
	_ =	sdelay $0x1  }
0x108: {  	v4 =	vadd.s32 v1, v4;
	_ =	sdelay $0x3  }
0x109: {  	v3 =	vperm.xlane v3, v2  }
0x10a: {  	[tilespmem:s21], [sflag:$0x1] =	stream.indirect_vreg.gather [hbm4b:s2+s3], $0x80, v4, vm0, $0xb8;
	[tilespmem:$0x1E100] =	vst v63  }
0x10b: {  	v3 =	vadd.s32 v1, v3  }
0x10c: {  	[tilespmem:s29], [sflag:$0x1] =	stream.indirect_vreg.gather [hbm4b:s5+s3], $0x80, v4, vm0, $0xb8;
	[tilespmem:$0x1E100] =	vst v63  }
0x10d: {  	_ = 	snop  }
0x10e: {  	[tilespmem:s30], [sflag:$0x1] =	stream.indirect_vreg.gather [hbm4b:s6+s3], $0x80, v4, vm0, $0xb8;
	[tilespmem:$0x1E100] =	vst v63  }
0x10f: {  	_ = 	snop  }
0x110: {  	[tilespmem:s31], [sflag:$0x1] =	stream.indirect_vreg.gather [hbm4b:s2+s3], $0x80, v3, vm0, $0xb8;
	[tilespmem:$0x1E100] =	vst v63  }
0x111: {  	_ = 	snop  }
0x112: {  	[tilespmem:s9], [sflag:$0x1] =	stream.indirect_vreg.gather [hbm4b:s5+s3], $0x80, v3, vm0, $0xb8;
	[tilespmem:$0x1E100] =	vst v63  }
0x113: {  	_ = 	snop  }
0x114: {  	[tilespmem:s17], [sflag:$0x1] =	stream.indirect_vreg.gather [hbm4b:s6+s3], $0x80, v3, vm0, $0xb8;
	[tilespmem:$0x1E100] =	vst v63  }
0x115: {  	v3 =	vld [tilespmem:$0xB0];
	_ =	sdelay $0x4  }
0x116: {  	v59 =	vshrl.u32 v3, $0x3  }
0x117: {  	v4 =	vmul.u32 $0x30, v59  }
0x118: {  	v3 =	vand.u32 $0x7, v3  }
0x119: {  	v3 =	vor.u32 v3, v4  }
0x11a: {  	v4 =	vperm.xlane v3, v0;
	_ =	sdelay $0x1  }
0x11b: {  	v4 =	vadd.s32 v1, v4;
	_ =	sdelay $0x3  }
0x11c: {  	v3 =	vperm.xlane v3, v2  }
0x11d: {  	[tilespmem:s11], [sflag:$0x1] =	stream.indirect_vreg.gather [hbm4b:s2+s3], $0x80, v4, vm0, $0xb8;
	[tilespmem:$0x1E100] =	vst v63  }
0x11e: {  	v3 =	vadd.s32 v1, v3  }
0x11f: {  	[tilespmem:s12], [sflag:$0x1] =	stream.indirect_vreg.gather [hbm4b:s5+s3], $0x80, v4, vm0, $0xb8;
	[tilespmem:$0x1E100] =	vst v63  }
0x120: {  	_ = 	snop  }
0x121: {  	[tilespmem:s13], [sflag:$0x1] =	stream.indirect_vreg.gather [hbm4b:s6+s3], $0x80, v4, vm0, $0xb8;
	[tilespmem:$0x1E100] =	vst v63  }
0x122: {  	_ = 	snop  }
0x123: {  	[tilespmem:s14], [sflag:$0x1] =	stream.indirect_vreg.gather [hbm4b:s2+s3], $0x80, v3, vm0, $0xb8;
	[tilespmem:$0x1E100] =	vst v63  }
0x124: {  	_ = 	snop  }
0x125: {  	[tilespmem:s15], [sflag:$0x1] =	stream.indirect_vreg.gather [hbm4b:s5+s3], $0x80, v3, vm0, $0xb8;
	[tilespmem:$0x1E100] =	vst v63  }
0x126: {  	_ = 	snop  }
0x127: {  	[tilespmem:s16], [sflag:$0x1] =	stream.indirect_vreg.gather [hbm4b:s6+s3], $0x80, v3, vm0, $0xb8;
	[tilespmem:$0x1E100] =	vst v63  }
0x128: {  	_ =	swait.ge [sflag:s25], $0x6000  }
0x129: {  	[sflag:s25] =	ssyncset.done $0x0  }
0x12a: {  	s28 =	rddreg [dreg:$0x8];
	[sflag:s25] =	ssyncadd.s32 $0xFFFFA000  }
0x12b: {  	[hbm4b:s28+s3] =	stream.linear.scatter [tilespmem:s0], [sflag:$0x2], $0x6000, $0x38;
	[tilespmem:$0x1E100] =	vst v63  }
0x12c: {  	_ =	swait.ge [sflag:s26], $0x6000  }
0x12d: {  	[sflag:s26] =	ssyncset.done $0x0  }
0x12e: {  	[sflag:s26] =	ssyncadd.s32 $0xFFFFA000  }
0x12f: {  	v3 =	vld [tilespmem:$0xC0];
	_ =	sdelay $0x4  }
0x130: {  	v60 =	vshrl.u32 v3, $0x3  }
0x131: {  	v4 =	vmul.u32 $0x30, v60  }
0x132: {  	v3 =	vand.u32 $0x7, v3  }
0x133: {  	v3 =	vor.u32 v3, v4  }
0x134: {  	v4 =	vperm.xlane v3, v0;
	_ =	sdelay $0x1  }
0x135: {  	v4 =	vadd.s32 v1, v4;
	_ =	sdelay $0x3  }
0x136: {  	v3 =	vperm.xlane v3, v2  }
0x137: {  	[tilespmem:s10], [sflag:$0x1] =	stream.indirect_vreg.gather [hbm4b:s2+s3], $0x80, v4, vm0, $0xb8;
	[tilespmem:$0x1E100] =	vst v63  }
0x138: {  	s29 =	simm.s32 $0x6900;
	v3 =	vadd.s32 v1, v3  }
0x139: {  	[tilespmem:s29], [sflag:$0x1] =	stream.indirect_vreg.gather [hbm4b:s5+s3], $0x80, v4, vm0, $0xb8;
	[tilespmem:$0x1E100] =	vst v63  }
0x13a: {  	_ = 	snop  }
0x13b: {  	[tilespmem:s18], [sflag:$0x1] =	stream.indirect_vreg.gather [hbm4b:s6+s3], $0x80, v4, vm0, $0xb8;
	[tilespmem:$0x1E100] =	vst v63  }
0x13c: {  	_ = 	snop  }
0x13d: {  	[tilespmem:s19], [sflag:$0x1] =	stream.indirect_vreg.gather [hbm4b:s2+s3], $0x80, v3, vm0, $0xb8;
	[tilespmem:$0x1E100] =	vst v63  }
0x13e: {  	_ = 	snop  }
0x13f: {  	[tilespmem:s20], [sflag:$0x1] =	stream.indirect_vreg.gather [hbm4b:s5+s3], $0x80, v3, vm0, $0xb8;
	[tilespmem:$0x1E100] =	vst v63  }
0x140: {  	_ = 	snop  }
0x141: {  	[tilespmem:s22], [sflag:$0x1] =	stream.indirect_vreg.gather [hbm4b:s6+s3], $0x80, v3, vm0, $0xb8;
	[tilespmem:$0x1E100] =	vst v63  }
0x142: {  	v3 =	vld [tilespmem:$0xD0];
	_ =	sdelay $0x4  }
0x143: {  	v61 =	vshrl.u32 v3, $0x3  }
0x144: {  	v4 =	vmul.u32 $0x30, v61  }
0x145: {  	v3 =	vand.u32 $0x7, v3  }
0x146: {  	v3 =	vor.u32 v3, v4  }
0x147: {  	v4 =	vperm.xlane v3, v0;
	_ =	sdelay $0x1  }
0x148: {  	v4 =	vadd.s32 v1, v4;
	_ =	sdelay $0x3  }
0x149: {  	v3 =	vperm.xlane v3, v2  }
0x14a: {  	[tilespmem:s23], [sflag:$0x1] =	stream.indirect_vreg.gather [hbm4b:s2+s3], $0x80, v4, vm0, $0xb8;
	[tilespmem:$0x1E100] =	vst v63  }
0x14b: {  	v3 =	vadd.s32 v1, v3  }
0x14c: {  	[tilespmem:s24], [sflag:$0x1] =	stream.indirect_vreg.gather [hbm4b:s5+s3], $0x80, v4, vm0, $0xb8;
	[tilespmem:$0x1E100] =	vst v63  }
0x14d: {  	s4 =	simm.s32 $0xA100  }
0x14e: {  	[tilespmem:s4], [sflag:$0x1] =	stream.indirect_vreg.gather [hbm4b:s6+s3], $0x80, v4, vm0, $0xb8;
	[tilespmem:$0x1E100] =	vst v63  }
0x14f: {  	s28 =	simm.s32 $0xA900  }
0x150: {  	[tilespmem:s28], [sflag:$0x1] =	stream.indirect_vreg.gather [hbm4b:s2+s3], $0x80, v3, vm0, $0xb8;
	[tilespmem:$0x1E100] =	vst v63  }
0x151: {  	s29 =	simm.s32 $0xB100  }
0x152: {  	[tilespmem:s29], [sflag:$0x1] =	stream.indirect_vreg.gather [hbm4b:s5+s3], $0x80, v3, vm0, $0xb8;
	[tilespmem:$0x1E100] =	vst v63  }
0x153: {  	s4 =	simm.s32 $0xB900  }
0x154: {  	[tilespmem:s4], [sflag:$0x1] =	stream.indirect_vreg.gather [hbm4b:s6+s3], $0x80, v3, vm0, $0xb8;
	[tilespmem:$0x1E100] =	vst v63  }
0x155: {  	_ =	swait.ge [sflag:s25], $0x6000  }
0x156: {  	[sflag:s25] =	ssyncset.done $0x0  }
0x157: {  	s28 =	rddreg [dreg:$0x9];
	[sflag:s25] =	ssyncadd.s32 $0xFFFFA000  }
0x158: {  	[hbm4b:s28+s3] =	stream.linear.scatter [tilespmem:s21], [sflag:$0x2], $0x6000, $0x38;
	[tilespmem:$0x1E100] =	vst v63  }
0x159: {  	_ =	swait.ge [sflag:s26], $0x6000  }
0x15a: {  	[sflag:s26] =	ssyncset.done $0x0  }
0x15b: {  	[sflag:s26] =	ssyncadd.s32 $0xFFFFA000  }
0x15c: {  	v3 =	vld [tilespmem:$0xE0];
	_ =	sdelay $0x4  }
0x15d: {  	v62 =	vshrl.u32 v3, $0x3  }
0x15e: {  	v4 =	vmul.u32 $0x30, v62  }
0x15f: {  	v3 =	vand.u32 $0x7, v3  }
0x160: {  	v3 =	vor.u32 v3, v4  }
0x161: {  	v4 =	vperm.xlane v3, v0;
	_ =	sdelay $0x1  }
0x162: {  	v4 =	vadd.s32 v1, v4;
	_ =	sdelay $0x3  }
0x163: {  	v3 =	vperm.xlane v3, v2  }
0x164: {  	[tilespmem:s8], [sflag:$0x1] =	stream.indirect_vreg.gather [hbm4b:s2+s3], $0x80, v4, vm0, $0xb8;
	[tilespmem:$0x1E100] =	vst v63  }
0x165: {  	s29 =	simm.s32 $0xC900;
	v3 =	vadd.s32 v1, v3  }
0x166: {  	[tilespmem:s29], [sflag:$0x1] =	stream.indirect_vreg.gather [hbm4b:s5+s3], $0x80, v4, vm0, $0xb8;
	[tilespmem:$0x1E100] =	vst v63  }
0x167: {  	s4 =	simm.s32 $0xD100  }
0x168: {  	[tilespmem:s4], [sflag:$0x1] =	stream.indirect_vreg.gather [hbm4b:s6+s3], $0x80, v4, vm0, $0xb8;
	[tilespmem:$0x1E100] =	vst v63  }
0x169: {  	s28 =	simm.s32 $0xD900  }
0x16a: {  	[tilespmem:s28], [sflag:$0x1] =	stream.indirect_vreg.gather [hbm4b:s2+s3], $0x80, v3, vm0, $0xb8;
	[tilespmem:$0x1E100] =	vst v63  }
0x16b: {  	s29 =	simm.s32 $0xE100  }
0x16c: {  	[tilespmem:s29], [sflag:$0x1] =	stream.indirect_vreg.gather [hbm4b:s5+s3], $0x80, v3, vm0, $0xb8;
	[tilespmem:$0x1E100] =	vst v63  }
0x16d: {  	s4 =	simm.s32 $0xE900  }
0x16e: {  	[tilespmem:s4], [sflag:$0x1] =	stream.indirect_vreg.gather [hbm4b:s6+s3], $0x80, v3, vm0, $0xb8;
	[tilespmem:$0x1E100] =	vst v63  }
0x16f: {  	v3 =	vld [tilespmem:$0xF0];
	_ =	sdelay $0x4  }
0x170: {  	v63 =	vshrl.u32 v3, $0x3  }
0x171: {  	v4 =	vmul.u32 $0x30, v63  }
0x172: {  	v3 =	vand.u32 $0x7, v3  }
0x173: {  	v3 =	vor.u32 v3, v4  }
0x174: {  	v4 =	vperm.xlane v3, v0;
	_ =	sdelay $0x1  }
0x175: {  	v4 =	vadd.s32 v1, v4;
	_ =	sdelay $0x3  }
0x176: {  	s28 =	simm.s32 $0xF100;
	v3 =	vperm.xlane v3, v2  }
0x177: {  	[tilespmem:s28], [sflag:$0x1] =	stream.indirect_vreg.gather [hbm4b:s2+s3], $0x80, v4, vm0, $0xb8;
	[tilespmem:$0x1E100] =	vst v63  }
0x178: {  	s29 =	simm.s32 $0xF900;
	v3 =	vadd.s32 v1, v3  }
0x179: {  	[tilespmem:s29], [sflag:$0x1] =	stream.indirect_vreg.gather [hbm4b:s5+s3], $0x80, v4, vm0, $0xb8;
	[tilespmem:$0x1E100] =	vst v63  }
0x17a: {  	s4 =	simm.s32 $0x10100  }
0x17b: {  	[tilespmem:s4], [sflag:$0x1] =	stream.indirect_vreg.gather [hbm4b:s6+s3], $0x80, v4, vm0, $0xb8;
	[tilespmem:$0x1E100] =	vst v63  }
0x17c: {  	s28 =	simm.s32 $0x10900  }
0x17d: {  	[tilespmem:s28], [sflag:$0x1] =	stream.indirect_vreg.gather [hbm4b:s2+s3], $0x80, v3, vm0, $0xb8;
	[tilespmem:$0x1E100] =	vst v63  }
0x17e: {  	s29 =	simm.s32 $0x11100  }
0x17f: {  	[tilespmem:s29], [sflag:$0x1] =	stream.indirect_vreg.gather [hbm4b:s5+s3], $0x80, v3, vm0, $0xb8;
	[tilespmem:$0x1E100] =	vst v63  }
0x180: {  	s4 =	simm.s32 $0x11900  }
0x181: {  	[tilespmem:s4], [sflag:$0x1] =	stream.indirect_vreg.gather [hbm4b:s6+s3], $0x80, v3, vm0, $0xb8;
	[tilespmem:$0x1E100] =	vst v63  }
0x182: {  	_ =	swait.ge [sflag:s25], $0x6000  }
0x183: {  	[sflag:s25] =	ssyncset.done $0x0  }
0x184: {  	s28 =	rddreg [dreg:$0xa];
	[sflag:s25] =	ssyncadd.s32 $0xFFFFA000  }
0x185: {  	[hbm4b:s28+s3] =	stream.linear.scatter [tilespmem:s10], [sflag:$0x2], $0x6000, $0x38;
	[tilespmem:$0x1E100] =	vst v63  }
0x186: {  	_ =	swait.ge [sflag:s25], $0x6000  }
0x187: {  	[sflag:s25] =	ssyncset.done $0x0  }
0x188: {  	s29 =	rddreg [dreg:$0xb];
	[sflag:s25] =	ssyncadd.s32 $0xFFFFA000  }
0x189: {  	[hbm4b:s29+s3] =	stream.linear.scatter [tilespmem:s8], [sflag:$0x2], $0x6000, $0x38;
	[tilespmem:$0x1E100] =	vst v63  }
0x18a: {  	_ =	swait.ge [sflag:s26], $0x6000  }
0x18b: {  	[sflag:s26] =	ssyncset.done $0x0  }
0x18c: {  	[sflag:s26] =	ssyncadd.s32 $0xFFFFA000  }
0x18d: {  	_ =	swait.ge [sflag:s26], $0x6000  }
0x18e: {  	[sflag:s26] =	ssyncset.done $0x0  }
0x18f: {  	[sflag:s26] =	ssyncadd.s32 $0xFFFFA000  }
0x190: {  	_ =	swait.ge [sflag:s26], $0x6000  }
0x191: {  	[sflag:s26] =	ssyncset.done $0x0  }
0x192: {  	[sflag:s26] =	ssyncadd.s32 $0xFFFFA000  }
0x193: {  	p0 =	sne.s32 s7, $0x1;
	_ =	swait.ge [sflag:s26], $0x6000  }
.Ltmp0:
0x194: {  	[sflag:s26] =	ssyncset.done $0x0;
	(pc) =	sbr.rel @p0 .LBB2_1-.Ltmp0, $4  }
0x195: {  	[sflag:s26] =	ssyncadd.s32 $0xFFFFA000  }
0x196: {  	_ =	swait.ge [sflag:s26], $0x6000  }
0x197: {  	[sflag:s26] =	ssyncset.done $0x0  }
0x198: {  	s7 =	sadd.s32 $0xFFFFFFFF, s7;
	[sflag:s26] =	ssyncadd.s32 $0xFFFFA000  }
0x199: {  	_ =	sfence.sel $0x180000  }
0x19a: {  	[bflag:$0x0] =	sbarrier.arrive $0xFFFF  }
0x19b: {  	_ =	strace $0x90000047  }
0x19c: {  	s0 =	stileid.u32;
	[bflag:$0x2] =	sbarrier.arrive $0xFFFF  }
0x19d: {  	p0 =	sne.s32 s0, $0x0;
	s0 =	rddreg [dreg:$0x3]  }
0x19e: {  	s0 =	sadd.s32 @!p0 $0x100000, s0  }
0x19f: {  	[sflag:s0] =	ssyncadd.tile.s32 @!p0 $0x1;
	_ =	shalt  }
.Lfunc_end2:
_tile_overlayer_lowered:
.L_overlay_start_2:
0x1a0: {  	(tag) =	ssettag $0x2  }
0x1a1: {  	s0 =	rddreg [dreg:$0x0];
	s2 =	stileid.u32  }
0x1a2: {  	s1 =	rddreg [dreg:$0x1];
	p0 =	sne.s32 s2, $0x0  }
0x1a3: {  	s3 =	rddreg [dreg:$0x2];
	[bflag:$0x3] =	sbarrier.arrive $0xFFFF;
	s2 =	simm.s32 @!p0 $0x1C03  }
0x1a4: {  	[timem:s3], [sflag:s2] =	dma.local @!p0 [hbm:s0], s1  }
0x1a5: {  	s0 =	simm.s32 @!p0 $0x3  }
0x1a6: {  	_ =	swait.ge @!p0 [sflag:s0], s1  }
0x1a7: {  	s1 =	ssub.s32 @!p0 $0x0, s1;
	[sflag:s0] =	ssyncset.done @!p0 $0x0  }
0x1a8: {  	[sflag:s0] =	ssyncadd.s32 @!p0 s1  }
0x1a9: {  	[bflag:$0x3] =	sbarrier.arrive $0xFFFF  }
0x1aa: {  	_ =	shalt  }

</sc_bundles>
